<compile_context>
chip_gen: v7x
topology: tpu7x:2x2x1
jax: 0.10.2.dev20260603
libtpu: 0.0.44.dev20260713+nightly
codegen_flags: <defaults>
</compile_context>

<pallas_src>
import functools

import jax
import jax.numpy as jnp
from jax.experimental import pallas as pl
from jax.experimental.pallas import tpu as pltpu

_B = 1024
_D = 64
_L = 50
_H = 4
_HD = 16
_M = 64
_F = _H * _M
_TOPK = 5
_TILE = 2048
_NEG = -1e30


def _normalize_rows(x):
    sq = x * x
    v = sq
    w = _D
    while w > 1:
        w //= 2
        v = v[:, :w] + v[:, w : 2 * w]
    n = jnp.sqrt(v)
    return x / jnp.maximum(n, 1e-4)


def _normalize_cols(x):
    sq = x * x
    v = sq
    w = _D
    while w > 1:
        w //= 2
        v = v[:w, :] + v[w : 2 * w, :]
    n = jnp.sqrt(v)
    return x / jnp.maximum(n, 1e-4)


def _performer(x, proj):
    outs = []
    for h in range(_H):
        xh = x[:, h * _HD : (h + 1) * _HD].astype(jnp.bfloat16)
        ph = proj[h].astype(jnp.bfloat16)
        outs.append(jnp.dot(xh, ph, preferred_element_type=jnp.float32))
    return jax.nn.softplus(jnp.concatenate(outs, axis=1))


def _top5(s, idx_off):
    colsf = jax.lax.broadcasted_iota(
        jnp.int32, s.shape, 1).astype(jnp.float32)
    vals, idxs = [], []
    for _ in range(_TOPK):
        m = jnp.max(s, axis=1, keepdims=True)
        candf = jnp.where(s == m, colsf, jnp.float32(3e9))
        amf = jnp.min(candf, axis=1, keepdims=True)
        vals.append(m)
        idxs.append(amf.astype(jnp.int32) + idx_off)
        s = jnp.where(colsf == amf, _NEG, s)
    return vals, idxs


def _fused_kernel(sums_ref, mask_ref, k_ref, proj_ref, projt_ref,
                  vals_ref, idxs_ref,
                  phiq_ref, mv_ref, mi_ref, *, num_tiles, num_labels):
    pid = pl.program_id(0)

    @pl.when(pid == 0)
    def _init():
        denom = jnp.maximum(
            jnp.sum(mask_ref[...], axis=1, keepdims=True), 1.0)
        q = _normalize_rows(sums_ref[...] / denom)
        phiq_ref[...] = _performer(q, proj_ref[...]).astype(jnp.bfloat16)
        mv_ref[...] = jnp.full(mv_ref.shape, _NEG, jnp.float32)
        mi_ref[...] = jnp.zeros(mi_ref.shape, jnp.int32)

    wn = _normalize_cols(k_ref[...])
    heads = []
    for h in range(_H):
        wh = wn[h * _HD : (h + 1) * _HD, :].astype(jnp.bfloat16)
        pt = projt_ref[h].astype(jnp.bfloat16)
        heads.append(jnp.dot(pt, wh, preferred_element_type=jnp.float32))
    phi_wt = jax.nn.softplus(jnp.concatenate(heads, axis=0))
    s = jnp.dot(phiq_ref[...], phi_wt.astype(jnp.bfloat16),
                preferred_element_type=jnp.float32)

    base = pid * _TILE
    gcols = base + jax.lax.broadcasted_iota(jnp.int32, s.shape, 1)
    s = jnp.where(gcols < num_labels, s, _NEG)

    tv, ti = _top5(s, base)

    mv = mv_ref[...]
    mi = mi_ref[...]
    lanes = jax.lax.broadcasted_iota(jnp.int32, mv.shape, 1)
    lanesf = lanes.astype(jnp.float32)
    for r in range(_TOPK):
        mv = jnp.where(lanes == _TOPK + r, tv[r], mv)
        mi = jnp.where(lanes == _TOPK + r, ti[r], mi)

    rvals, ridxs = [], []
    for _ in range(_TOPK):
        m = jnp.max(mv, axis=1, keepdims=True)
        candf = jnp.where(mv == m, lanesf, jnp.float32(3e9))
        amf = jnp.min(candf, axis=1, keepdims=True)
        am = amf.astype(jnp.int32)
        rvals.append(m)
        ridxs.append(jnp.sum(jnp.where(lanes == am, mi, 0), axis=1,
                             keepdims=True))
        mv = jnp.where(lanesf == amf, _NEG, mv)

    new_mv = jnp.full(mv.shape, _NEG, jnp.float32)
    new_mi = jnp.zeros(mi.shape, jnp.int32)
    for r in range(_TOPK):
        new_mv = jnp.where(lanes == r, rvals[r], new_mv)
        new_mi = jnp.where(lanes == r, ridxs[r], new_mi)
    mv_ref[...] = new_mv
    mi_ref[...] = new_mi

    @pl.when(pid == num_tiles - 1)
    def _emit():
        vals_ref[...] = jnp.concatenate(rvals, axis=1)
        idxs_ref[...] = jnp.concatenate(ridxs, axis=1)


def kernel(indices, mask, embed_table, kernel, proj, k):
    del k
    embeds = jnp.take(embed_table, indices, axis=0)
    sum_embeds = jnp.sum(embeds * mask[:, :, None], axis=1)

    num_labels = kernel.shape[1]
    num_tiles = pl.cdiv(num_labels, _TILE)
    projt = jnp.transpose(proj, (0, 2, 1))

    fused = functools.partial(_fused_kernel, num_tiles=num_tiles,
                              num_labels=num_labels)
    vals, idxs = pl.pallas_call(
        fused,
        grid=(num_tiles,),
        in_specs=[
            pl.BlockSpec((_B, _D), lambda i: (0, 0)),
            pl.BlockSpec((_B, _L), lambda i: (0, 0)),
            pl.BlockSpec((_D, _TILE), lambda i: (0, i)),
            pl.BlockSpec((_H, _HD, _M), lambda i: (0, 0, 0)),
            pl.BlockSpec((_H, _M, _HD), lambda i: (0, 0, 0)),
        ],
        out_specs=[
            pl.BlockSpec((_B, _TOPK), lambda i: (0, 0)),
            pl.BlockSpec((_B, _TOPK), lambda i: (0, 0)),
        ],
        out_shape=[
            jax.ShapeDtypeStruct((_B, _TOPK), jnp.float32),
            jax.ShapeDtypeStruct((_B, _TOPK), jnp.int32),
        ],
        scratch_shapes=[
            pltpu.VMEM((_B, _F), jnp.bfloat16),
            pltpu.VMEM((_B, 128), jnp.float32),
            pltpu.VMEM((_B, 128), jnp.int32),
        ],
    )(sum_embeds, mask, kernel, proj, projt)
    return vals, idxs

# --- scband reference (transcript-rebuilt; emitter-appended) ---
"""Pipeline reference for scband-sampled-kernel-xml-51986284151005 (READ-ONLY COPY).

The authoritative reference and input builder live on the scoring server;
editing this copy changes nothing except your own understanding.
"""

import jax, jax.numpy as jnp
import numpy as np

NUM_FEATURES = 1000000
NUM_LABELS = 100000
EMBED_DIM = 64
NUM_HEADS = 4
KERNEL_SIZE = 64
B = 1024
L = 50
TOPK = 5


def safe_normalize(x, axis=-1, eps=0.0001):
    norm = jnp.linalg.norm(x, axis=axis, keepdims=True)
    return x / jnp.maximum(norm, eps)


def performer_features(x, proj):
    Bx = x.shape[0]
    head_dim = EMBED_DIM // NUM_HEADS
    xr = x.reshape(Bx, NUM_HEADS, head_dim)
    p = jnp.einsum('bhd,hdm->bhm', xr, proj)
    feats = jax.nn.softplus(p)
    return feats.reshape(Bx, -1)


def setup_inputs(seed: int = 0) -> dict:
    key = jax.random.key(seed)
    k1, k2, k3, k4 = jax.random.split(key, 4)
    indices = jax.random.randint(k1, (B, L), 0, NUM_FEATURES, dtype=jnp.int32)
    mask = jnp.ones((B, L), dtype=jnp.float32)
    embed_table = jax.random.normal(k2, (NUM_FEATURES, EMBED_DIM), dtype=jnp.float32) * 0.02
    kernel = jax.random.normal(k3, (EMBED_DIM, NUM_LABELS), dtype=jnp.float32) * 0.02
    proj = jax.random.normal(k4, (NUM_HEADS, EMBED_DIM // NUM_HEADS, KERNEL_SIZE), dtype=jnp.float32)
    proj = proj / jnp.linalg.norm(proj, axis=1, keepdims=True)
    return {"indices": indices, "mask": mask, "embed_table": embed_table, "kernel": kernel, "proj": proj, "k": TOPK}


def reference(indices, mask, embed_table, kernel, proj, k=TOPK):
    # MeanEmbedding: gather + masked mean
    embeds = jnp.take(embed_table, indices, axis=0)
    sum_embeds = jnp.sum(embeds * mask[:, :, None], axis=1)
    mean_embeds = sum_embeds / jnp.maximum(jnp.sum(mask, axis=1, keepdims=True), 1.0)
    query = safe_normalize(mean_embeds, axis=-1)
    # Performer feature map on query
    phi_query = performer_features(query, proj)
    # Classifier weights as label embeddings
    W = safe_normalize(kernel.T, axis=-1)
    phi_W = performer_features(W, proj)
    scores = phi_query @ phi_W.T
    k_arr = jnp.asarray(k)
    k_zero = k_arr - k_arr
    vals, idxs = jax.lax.top_k(scores, TOPK)
    vals = vals + k_zero.astype(vals.dtype)
    idxs = idxs + k_zero.astype(idxs.dtype)
    return vals, idxs

if __name__ == "__main__":
    import jax
    _d = setup_inputs()
    print(jax.jit(kernel)(*tuple(_d.values())))

</pallas_src>

<mosaic_0001>
module attributes {stable_mosaic.version = 14 : i64} {
  func.func @_fused_kernel(%arg0: i32, %arg1: memref<1024x64xf32, #tpu.memory_space<vmem>>, %arg2: memref<1024x50xf32, #tpu.memory_space<vmem>>, %arg3: memref<64x2048xf32, #tpu.memory_space<vmem>>, %arg4: memref<4x16x64xf32, #tpu.memory_space<vmem>>, %arg5: memref<4x64x16xf32, #tpu.memory_space<vmem>>, %arg6: memref<1024x5xf32, #tpu.memory_space<vmem>>, %arg7: memref<1024x5xi32, #tpu.memory_space<vmem>>, %arg8: memref<1024x256xbf16, #tpu.memory_space<vmem>>, %arg9: memref<1024x128xf32, #tpu.memory_space<vmem>>, %arg10: memref<1024x128xi32, #tpu.memory_space<vmem>>) attributes {dimension_semantics = [#tpu.dimension_semantics<arbitrary>], iteration_bounds = array<i64: 49>, scalar_prefetch = 0 : i64, scratch_operands = 3 : i64, tpu.core_type = #tpu.core_type<tc>, window_params = [{pipeline_mode = #tpu.pipeline_mode<synchronous>, transform_indices = @transform_0, window_bounds = array<i64: 1024, 64>}, {pipeline_mode = #tpu.pipeline_mode<synchronous>, transform_indices = @transform_1, window_bounds = array<i64: 1024, 50>}, {transform_indices = @transform_2, window_bounds = array<i64: 64, 2048>}, {pipeline_mode = #tpu.pipeline_mode<synchronous>, transform_indices = @transform_3, window_bounds = array<i64: 4, 16, 64>}, {pipeline_mode = #tpu.pipeline_mode<synchronous>, transform_indices = @transform_4, window_bounds = array<i64: 4, 64, 16>}, {pipeline_mode = #tpu.pipeline_mode<synchronous>, transform_indices = @transform_5, window_bounds = array<i64: 1024, 5>}, {pipeline_mode = #tpu.pipeline_mode<synchronous>, transform_indices = @transform_6, window_bounds = array<i64: 1024, 5>}]} {
    %eq3A = arith.constant 0 : i32
    %eq3A_0 = arith.cmpi eq, %arg0, %eq3A : i32
    %convert_element_type3A = arith.extui %eq3A_0 : i1 to i32
    %cond3A = arith.constant 0 : i32
    %cond3A_1 = arith.cmpi ne, %convert_element_type3A, %cond3A : i32
    scf.if %cond3A_1 {
      %get3A_434 = arith.constant 0 : index
      %get3A_435 = arith.constant 0 : index
      %get3A_436 = vector.load %arg2[%get3A_434, %get3A_435] : memref<1024x50xf32, #tpu.memory_space<vmem>>, vector<1024x50xf32>
      %reduce_sum3A_437 = arith.constant dense<0.000000e+00> : vector<1024xf32>
      %reduce_sum3A_438 = vector.multi_reduction <add>, %get3A_436, %reduce_sum3A_437 [1] : vector<1024x50xf32> to vector<1024xf32>
      %broadcast_in_dim3A_439 = vector.shape_cast %reduce_sum3A_438 : vector<1024xf32> to vector<1024x1xf32>
      %max3A_440 = arith.constant 1.000000e+00 : f32
      %max3A_441 = vector.broadcast %max3A_440 : f32 to vector<1024x1xf32>
      %max3A_442 = arith.maximumf %broadcast_in_dim3A_439, %max3A_441 : vector<1024x1xf32>
      %get3A_443 = arith.constant 0 : index
      %get3A_444 = arith.constant 0 : index
      %get3A_445 = vector.load %arg1[%get3A_443, %get3A_444] : memref<1024x64xf32, #tpu.memory_space<vmem>>, vector<1024x64xf32>
      %div3A_446 = vector.broadcast %max3A_442 : vector<1024x1xf32> to vector<1024x64xf32>
      %div3A_447 = arith.divf %get3A_445, %div3A_446 : vector<1024x64xf32>
      %mul3A_448 = arith.mulf %div3A_447, %div3A_447 : vector<1024x64xf32>
      %slice3A_449 = vector.extract_strided_slice %mul3A_448 {offsets = [0, 0], sizes = [1024, 32], strides = [1, 1]} : vector<1024x64xf32> to vector<1024x32xf32>
      %slice3A_450 = vector.extract_strided_slice %mul3A_448 {offsets = [0, 32], sizes = [1024, 32], strides = [1, 1]} : vector<1024x64xf32> to vector<1024x32xf32>
      %add3A_451 = arith.addf %slice3A_449, %slice3A_450 : vector<1024x32xf32>
      %slice3A_452 = vector.extract_strided_slice %add3A_451 {offsets = [0, 0], sizes = [1024, 16], strides = [1, 1]} : vector<1024x32xf32> to vector<1024x16xf32>
      %slice3A_453 = vector.extract_strided_slice %add3A_451 {offsets = [0, 16], sizes = [1024, 16], strides = [1, 1]} : vector<1024x32xf32> to vector<1024x16xf32>
      %add3A_454 = arith.addf %slice3A_452, %slice3A_453 : vector<1024x16xf32>
      %slice3A_455 = vector.extract_strided_slice %add3A_454 {offsets = [0, 0], sizes = [1024, 8], strides = [1, 1]} : vector<1024x16xf32> to vector<1024x8xf32>
      %slice3A_456 = vector.extract_strided_slice %add3A_454 {offsets = [0, 8], sizes = [1024, 8], strides = [1, 1]} : vector<1024x16xf32> to vector<1024x8xf32>
      %add3A_457 = arith.addf %slice3A_455, %slice3A_456 : vector<1024x8xf32>
      %slice3A_458 = vector.extract_strided_slice %add3A_457 {offsets = [0, 0], sizes = [1024, 4], strides = [1, 1]} : vector<1024x8xf32> to vector<1024x4xf32>
      %slice3A_459 = vector.extract_strided_slice %add3A_457 {offsets = [0, 4], sizes = [1024, 4], strides = [1, 1]} : vector<1024x8xf32> to vector<1024x4xf32>
      %add3A_460 = arith.addf %slice3A_458, %slice3A_459 : vector<1024x4xf32>
      %slice3A_461 = vector.extract_strided_slice %add3A_460 {offsets = [0, 0], sizes = [1024, 2], strides = [1, 1]} : vector<1024x4xf32> to vector<1024x2xf32>
      %slice3A_462 = vector.extract_strided_slice %add3A_460 {offsets = [0, 2], sizes = [1024, 2], strides = [1, 1]} : vector<1024x4xf32> to vector<1024x2xf32>
      %add3A_463 = arith.addf %slice3A_461, %slice3A_462 : vector<1024x2xf32>
      %slice3A_464 = vector.extract_strided_slice %add3A_463 {offsets = [0, 0], sizes = [1024, 1], strides = [1, 1]} : vector<1024x2xf32> to vector<1024x1xf32>
      %slice3A_465 = vector.extract_strided_slice %add3A_463 {offsets = [0, 1], sizes = [1024, 1], strides = [1, 1]} : vector<1024x2xf32> to vector<1024x1xf32>
      %add3A_466 = arith.addf %slice3A_464, %slice3A_465 : vector<1024x1xf32>
      %sqrt3A_467 = math.sqrt %add3A_466 : vector<1024x1xf32>
      %max3A_468 = arith.constant 9.99999974E-5 : f32
      %max3A_469 = vector.broadcast %max3A_468 : f32 to vector<1024x1xf32>
      %max3A_470 = arith.maximumf %sqrt3A_467, %max3A_469 : vector<1024x1xf32>
      %div3A_471 = vector.broadcast %max3A_470 : vector<1024x1xf32> to vector<1024x64xf32>
      %div3A_472 = arith.divf %div3A_447, %div3A_471 : vector<1024x64xf32>
      %get3A_473 = arith.constant 0 : index
      %get3A_474 = arith.constant 0 : index
      %get3A_475 = arith.constant 0 : index
      %get3A_476 = vector.load %arg4[%get3A_473, %get3A_474, %get3A_475] : memref<4x16x64xf32, #tpu.memory_space<vmem>>, vector<4x16x64xf32>
      %slice3A_477 = vector.extract_strided_slice %div3A_472 {offsets = [0, 0], sizes = [1024, 16], strides = [1, 1]} : vector<1024x64xf32> to vector<1024x16xf32>
      %convert_element_type3A_478 = arith.truncf %slice3A_477 : vector<1024x16xf32> to vector<1024x16xbf16>
      %slice3A_479 = vector.extract_strided_slice %get3A_476 {offsets = [0, 0, 0], sizes = [1, 16, 64], strides = [1, 1, 1]} : vector<4x16x64xf32> to vector<1x16x64xf32>
      %squeeze3A = vector.shape_cast %slice3A_479 : vector<1x16x64xf32> to vector<16x64xf32>
      %convert_element_type3A_480 = arith.truncf %squeeze3A : vector<16x64xf32> to vector<16x64xbf16>
      %dot_general3A_481 = arith.constant dense<0.000000e+00> : vector<1024x64xf32>
      %dot_general3A_482 = tpu.matmul %convert_element_type3A_478, %convert_element_type3A_480, %dot_general3A_481 {dimension_numbers = #tpu.dot_dimension_numbers<[1], [0], [0], [1], [0, 0, 1, 1], [], []>, transpose_lhs_hint = false} : vector<1024x16xbf16>, vector<16x64xbf16>, vector<1024x64xf32> -> vector<1024x64xf32>
      %slice3A_483 = vector.extract_strided_slice %div3A_472 {offsets = [0, 16], sizes = [1024, 16], strides = [1, 1]} : vector<1024x64xf32> to vector<1024x16xf32>
      %convert_element_type3A_484 = arith.truncf %slice3A_483 : vector<1024x16xf32> to vector<1024x16xbf16>
      %slice3A_485 = vector.extract_strided_slice %get3A_476 {offsets = [1, 0, 0], sizes = [1, 16, 64], strides = [1, 1, 1]} : vector<4x16x64xf32> to vector<1x16x64xf32>
      %squeeze3A_486 = vector.shape_cast %slice3A_485 : vector<1x16x64xf32> to vector<16x64xf32>
      %convert_element_type3A_487 = arith.truncf %squeeze3A_486 : vector<16x64xf32> to vector<16x64xbf16>
      %dot_general3A_488 = arith.constant dense<0.000000e+00> : vector<1024x64xf32>
      %dot_general3A_489 = tpu.matmul %convert_element_type3A_484, %convert_element_type3A_487, %dot_general3A_488 {dimension_numbers = #tpu.dot_dimension_numbers<[1], [0], [0], [1], [0, 0, 1, 1], [], []>, transpose_lhs_hint = false} : vector<1024x16xbf16>, vector<16x64xbf16>, vector<1024x64xf32> -> vector<1024x64xf32>
      %slice3A_490 = vector.extract_strided_slice %div3A_472 {offsets = [0, 32], sizes = [1024, 16], strides = [1, 1]} : vector<1024x64xf32> to vector<1024x16xf32>
      %convert_element_type3A_491 = arith.truncf %slice3A_490 : vector<1024x16xf32> to vector<1024x16xbf16>
      %slice3A_492 = vector.extract_strided_slice %get3A_476 {offsets = [2, 0, 0], sizes = [1, 16, 64], strides = [1, 1, 1]} : vector<4x16x64xf32> to vector<1x16x64xf32>
      %squeeze3A_493 = vector.shape_cast %slice3A_492 : vector<1x16x64xf32> to vector<16x64xf32>
      %convert_element_type3A_494 = arith.truncf %squeeze3A_493 : vector<16x64xf32> to vector<16x64xbf16>
      %dot_general3A_495 = arith.constant dense<0.000000e+00> : vector<1024x64xf32>
      %dot_general3A_496 = tpu.matmul %convert_element_type3A_491, %convert_element_type3A_494, %dot_general3A_495 {dimension_numbers = #tpu.dot_dimension_numbers<[1], [0], [0], [1], [0, 0, 1, 1], [], []>, transpose_lhs_hint = false} : vector<1024x16xbf16>, vector<16x64xbf16>, vector<1024x64xf32> -> vector<1024x64xf32>
      %slice3A_497 = vector.extract_strided_slice %div3A_472 {offsets = [0, 48], sizes = [1024, 16], strides = [1, 1]} : vector<1024x64xf32> to vector<1024x16xf32>
      %convert_element_type3A_498 = arith.truncf %slice3A_497 : vector<1024x16xf32> to vector<1024x16xbf16>
      %slice3A_499 = vector.extract_strided_slice %get3A_476 {offsets = [3, 0, 0], sizes = [1, 16, 64], strides = [1, 1, 1]} : vector<4x16x64xf32> to vector<1x16x64xf32>
      %squeeze3A_500 = vector.shape_cast %slice3A_499 : vector<1x16x64xf32> to vector<16x64xf32>
      %convert_element_type3A_501 = arith.truncf %squeeze3A_500 : vector<16x64xf32> to vector<16x64xbf16>
      %dot_general3A_502 = arith.constant dense<0.000000e+00> : vector<1024x64xf32>
      %dot_general3A_503 = tpu.matmul %convert_element_type3A_498, %convert_element_type3A_501, %dot_general3A_502 {dimension_numbers = #tpu.dot_dimension_numbers<[1], [0], [0], [1], [0, 0, 1, 1], [], []>, transpose_lhs_hint = false} : vector<1024x16xbf16>, vector<16x64xbf16>, vector<1024x64xf32> -> vector<1024x64xf32>
      %concatenate3A_504 = tpu.concatenate %dot_general3A_482, %dot_general3A_489, %dot_general3A_496, %dot_general3A_503 in 1 : vector<1024x64xf32>, vector<1024x64xf32>, vector<1024x64xf32>, vector<1024x64xf32> -> vector<1024x256xf32>
      %custom_jvp_call3A_505 = arith.constant 0.000000e+00 : f32
      %max3A_506 = vector.broadcast %custom_jvp_call3A_505 : f32 to vector<1024x256xf32>
      %max3A_507 = arith.maximumf %concatenate3A_504, %max3A_506 : vector<1024x256xf32>
      %sub3A_508 = vector.broadcast %custom_jvp_call3A_505 : f32 to vector<1024x256xf32>
      %sub3A_509 = arith.subf %concatenate3A_504, %sub3A_508 : vector<1024x256xf32>
      %ne3A_510 = arith.cmpf one, %sub3A_509, %sub3A_509 : vector<1024x256xf32>
      %add3A_511 = vector.broadcast %custom_jvp_call3A_505 : f32 to vector<1024x256xf32>
      %add3A_512 = arith.addf %concatenate3A_504, %add3A_511 : vector<1024x256xf32>
      %abs3A_513 = math.absf %sub3A_509 : vector<1024x256xf32>
      %neg3A_514 = arith.constant 0.000000e+00 : f32
      %neg3A_515 = vector.broadcast %neg3A_514 : f32 to vector<1024x256xf32>
      %neg3A_516 = arith.subf %neg3A_515, %abs3A_513 : vector<1024x256xf32>
      %exp3A_517 = math.exp %neg3A_516 : vector<1024x256xf32>
      %log1p3A_518 = math.log1p %exp3A_517 : vector<1024x256xf32>
      %add3A_519 = arith.addf %max3A_507, %log1p3A_518 : vector<1024x256xf32>
      %select_n3A_520 = arith.select %ne3A_510, %add3A_512, %add3A_519 : vector<1024x256xi1>, vector<1024x256xf32>
      %convert_element_type3A_521 = arith.truncf %select_n3A_520 : vector<1024x256xf32> to vector<1024x256xbf16>
      %swap3A_522 = arith.constant 0 : index
      %swap3A_523 = arith.constant 0 : index
      %swap3A_524 = vector.load %arg8[%swap3A_522, %swap3A_523] : memref<1024x256xbf16, #tpu.memory_space<vmem>>, vector<1024x256xbf16>
      tpu.vector_store %arg8[%swap3A_522, %swap3A_523], %convert_element_type3A_521 {strides = array<i32>} : memref<1024x256xbf16, #tpu.memory_space<vmem>>, vector<1024x256xbf16>,
      %broadcast_in_dim3A_525 = arith.constant -1.000000e+30 : f32
      %broadcast_in_dim3A_526 = vector.broadcast %broadcast_in_dim3A_525 : f32 to vector<1024x128xf32>
      %swap3A_527 = arith.constant 0 : index
      %swap3A_528 = arith.constant 0 : index
      %swap3A_529 = vector.load %arg9[%swap3A_527, %swap3A_528] : memref<1024x128xf32, #tpu.memory_space<vmem>>, vector<1024x128xf32>
      tpu.vector_store %arg9[%swap3A_527, %swap3A_528], %broadcast_in_dim3A_526 {strides = array<i32>} : memref<1024x128xf32, #tpu.memory_space<vmem>>, vector<1024x128xf32>,
      %broadcast_in_dim3A_530 = arith.constant 0 : i32
      %broadcast_in_dim3A_531 = vector.broadcast %broadcast_in_dim3A_530 : i32 to vector<1024x128xi32>
      %swap3A_532 = arith.constant 0 : index
      %swap3A_533 = arith.constant 0 : index
      %swap3A_534 = vector.load %arg10[%swap3A_532, %swap3A_533] : memref<1024x128xi32, #tpu.memory_space<vmem>>, vector<1024x128xi32>
      tpu.vector_store %arg10[%swap3A_532, %swap3A_533], %broadcast_in_dim3A_531 {strides = array<i32>} : memref<1024x128xi32, #tpu.memory_space<vmem>>, vector<1024x128xi32>,
    } else {
    }
    %get3A = arith.constant 0 : index
    %get3A_2 = arith.constant 0 : index
    %get3A_3 = vector.load %arg3[%get3A, %get3A_2] : memref<64x2048xf32, #tpu.memory_space<vmem>>, vector<64x2048xf32>
    %mul3A = arith.mulf %get3A_3, %get3A_3 : vector<64x2048xf32>
    %slice3A = vector.extract_strided_slice %mul3A {offsets = [0, 0], sizes = [32, 2048], strides = [1, 1]} : vector<64x2048xf32> to vector<32x2048xf32>
    %slice3A_4 = vector.extract_strided_slice %mul3A {offsets = [32, 0], sizes = [32, 2048], strides = [1, 1]} : vector<64x2048xf32> to vector<32x2048xf32>
    %add3A = arith.addf %slice3A, %slice3A_4 : vector<32x2048xf32>
    %slice3A_5 = vector.extract_strided_slice %add3A {offsets = [0, 0], sizes = [16, 2048], strides = [1, 1]} : vector<32x2048xf32> to vector<16x2048xf32>
    %slice3A_6 = vector.extract_strided_slice %add3A {offsets = [16, 0], sizes = [16, 2048], strides = [1, 1]} : vector<32x2048xf32> to vector<16x2048xf32>
    %add3A_7 = arith.addf %slice3A_5, %slice3A_6 : vector<16x2048xf32>
    %slice3A_8 = vector.extract_strided_slice %add3A_7 {offsets = [0, 0], sizes = [8, 2048], strides = [1, 1]} : vector<16x2048xf32> to vector<8x2048xf32>
    %slice3A_9 = vector.extract_strided_slice %add3A_7 {offsets = [8, 0], sizes = [8, 2048], strides = [1, 1]} : vector<16x2048xf32> to vector<8x2048xf32>
    %add3A_10 = arith.addf %slice3A_8, %slice3A_9 : vector<8x2048xf32>
    %slice3A_11 = vector.extract_strided_slice %add3A_10 {offsets = [0, 0], sizes = [4, 2048], strides = [1, 1]} : vector<8x2048xf32> to vector<4x2048xf32>
    %slice3A_12 = vector.extract_strided_slice %add3A_10 {offsets = [4, 0], sizes = [4, 2048], strides = [1, 1]} : vector<8x2048xf32> to vector<4x2048xf32>
    %add3A_13 = arith.addf %slice3A_11, %slice3A_12 : vector<4x2048xf32>
    %slice3A_14 = vector.extract_strided_slice %add3A_13 {offsets = [0, 0], sizes = [2, 2048], strides = [1, 1]} : vector<4x2048xf32> to vector<2x2048xf32>
    %slice3A_15 = vector.extract_strided_slice %add3A_13 {offsets = [2, 0], sizes = [2, 2048], strides = [1, 1]} : vector<4x2048xf32> to vector<2x2048xf32>
    %add3A_16 = arith.addf %slice3A_14, %slice3A_15 : vector<2x2048xf32>
    %slice3A_17 = vector.extract_strided_slice %add3A_16 {offsets = [0, 0], sizes = [1, 2048], strides = [1, 1]} : vector<2x2048xf32> to vector<1x2048xf32>
    %slice3A_18 = vector.extract_strided_slice %add3A_16 {offsets = [1, 0], sizes = [1, 2048], strides = [1, 1]} : vector<2x2048xf32> to vector<1x2048xf32>
    %add3A_19 = arith.addf %slice3A_17, %slice3A_18 : vector<1x2048xf32>
    %sqrt3A = math.sqrt %add3A_19 : vector<1x2048xf32>
    %max3A = arith.constant 9.99999974E-5 : f32
    %max3A_20 = vector.broadcast %max3A : f32 to vector<1x2048xf32>
    %max3A_21 = arith.maximumf %sqrt3A, %max3A_20 : vector<1x2048xf32>
    %div3A = vector.broadcast %max3A_21 : vector<1x2048xf32> to vector<64x2048xf32>
    %div3A_22 = arith.divf %get3A_3, %div3A : vector<64x2048xf32>
    %slice3A_23 = vector.extract_strided_slice %div3A_22 {offsets = [0, 0], sizes = [16, 2048], strides = [1, 1]} : vector<64x2048xf32> to vector<16x2048xf32>
    %convert_element_type3A_24 = arith.truncf %slice3A_23 : vector<16x2048xf32> to vector<16x2048xbf16>
    %get3A_25 = arith.constant 0 : index
    %get3A_26 = arith.constant 0 : index
    %get3A_27 = arith.constant 0 : index
    %get3A_28 = vector.load %arg5[%get3A_25, %get3A_26, %get3A_27] : memref<4x64x16xf32, #tpu.memory_space<vmem>>, vector<1x64x16xf32>
    %get3A_29 = vector.shape_cast %get3A_28 : vector<1x64x16xf32> to vector<64x16xf32>
    %convert_element_type3A_30 = arith.truncf %get3A_29 : vector<64x16xf32> to vector<64x16xbf16>
    %dot_general3A = arith.constant dense<0.000000e+00> : vector<64x2048xf32>
    %dot_general3A_31 = tpu.matmul %convert_element_type3A_30, %convert_element_type3A_24, %dot_general3A {dimension_numbers = #tpu.dot_dimension_numbers<[1], [0], [0], [1], [0, 0, 1, 1], [], []>, transpose_lhs_hint = false} : vector<64x16xbf16>, vector<16x2048xbf16>, vector<64x2048xf32> -> vector<64x2048xf32>
    %slice3A_32 = vector.extract_strided_slice %div3A_22 {offsets = [16, 0], sizes = [16, 2048], strides = [1, 1]} : vector<64x2048xf32> to vector<16x2048xf32>
    %convert_element_type3A_33 = arith.truncf %slice3A_32 : vector<16x2048xf32> to vector<16x2048xbf16>
    %get3A_34 = arith.constant 1 : index
    %get3A_35 = arith.constant 0 : index
    %get3A_36 = arith.constant 0 : index
    %get3A_37 = vector.load %arg5[%get3A_34, %get3A_35, %get3A_36] : memref<4x64x16xf32, #tpu.memory_space<vmem>>, vector<1x64x16xf32>
    %get3A_38 = vector.shape_cast %get3A_37 : vector<1x64x16xf32> to vector<64x16xf32>
    %convert_element_type3A_39 = arith.truncf %get3A_38 : vector<64x16xf32> to vector<64x16xbf16>
    %dot_general3A_40 = arith.constant dense<0.000000e+00> : vector<64x2048xf32>
    %dot_general3A_41 = tpu.matmul %convert_element_type3A_39, %convert_element_type3A_33, %dot_general3A_40 {dimension_numbers = #tpu.dot_dimension_numbers<[1], [0], [0], [1], [0, 0, 1, 1], [], []>, transpose_lhs_hint = false} : vector<64x16xbf16>, vector<16x2048xbf16>, vector<64x2048xf32> -> vector<64x2048xf32>
    %slice3A_42 = vector.extract_strided_slice %div3A_22 {offsets = [32, 0], sizes = [16, 2048], strides = [1, 1]} : vector<64x2048xf32> to vector<16x2048xf32>
    %convert_element_type3A_43 = arith.truncf %slice3A_42 : vector<16x2048xf32> to vector<16x2048xbf16>
    %get3A_44 = arith.constant 2 : index
    %get3A_45 = arith.constant 0 : index
    %get3A_46 = arith.constant 0 : index
    %get3A_47 = vector.load %arg5[%get3A_44, %get3A_45, %get3A_46] : memref<4x64x16xf32, #tpu.memory_space<vmem>>, vector<1x64x16xf32>
    %get3A_48 = vector.shape_cast %get3A_47 : vector<1x64x16xf32> to vector<64x16xf32>
    %convert_element_type3A_49 = arith.truncf %get3A_48 : vector<64x16xf32> to vector<64x16xbf16>
    %dot_general3A_50 = arith.constant dense<0.000000e+00> : vector<64x2048xf32>
    %dot_general3A_51 = tpu.matmul %convert_element_type3A_49, %convert_element_type3A_43, %dot_general3A_50 {dimension_numbers = #tpu.dot_dimension_numbers<[1], [0], [0], [1], [0, 0, 1, 1], [], []>, transpose_lhs_hint = false} : vector<64x16xbf16>, vector<16x2048xbf16>, vector<64x2048xf32> -> vector<64x2048xf32>
    %slice3A_52 = vector.extract_strided_slice %div3A_22 {offsets = [48, 0], sizes = [16, 2048], strides = [1, 1]} : vector<64x2048xf32> to vector<16x2048xf32>
    %convert_element_type3A_53 = arith.truncf %slice3A_52 : vector<16x2048xf32> to vector<16x2048xbf16>
    %get3A_54 = arith.constant 3 : index
    %get3A_55 = arith.constant 0 : index
    %get3A_56 = arith.constant 0 : index
    %get3A_57 = vector.load %arg5[%get3A_54, %get3A_55, %get3A_56] : memref<4x64x16xf32, #tpu.memory_space<vmem>>, vector<1x64x16xf32>
    %get3A_58 = vector.shape_cast %get3A_57 : vector<1x64x16xf32> to vector<64x16xf32>
    %convert_element_type3A_59 = arith.truncf %get3A_58 : vector<64x16xf32> to vector<64x16xbf16>
    %dot_general3A_60 = arith.constant dense<0.000000e+00> : vector<64x2048xf32>
    %dot_general3A_61 = tpu.matmul %convert_element_type3A_59, %convert_element_type3A_53, %dot_general3A_60 {dimension_numbers = #tpu.dot_dimension_numbers<[1], [0], [0], [1], [0, 0, 1, 1], [], []>, transpose_lhs_hint = false} : vector<64x16xbf16>, vector<16x2048xbf16>, vector<64x2048xf32> -> vector<64x2048xf32>
    %concatenate3A = tpu.concatenate %dot_general3A_31, %dot_general3A_41, %dot_general3A_51, %dot_general3A_61 in 0 : vector<64x2048xf32>, vector<64x2048xf32>, vector<64x2048xf32>, vector<64x2048xf32> -> vector<256x2048xf32>
    %custom_jvp_call3A = arith.constant 0.000000e+00 : f32
    %max3A_62 = vector.broadcast %custom_jvp_call3A : f32 to vector<256x2048xf32>
    %max3A_63 = arith.maximumf %concatenate3A, %max3A_62 : vector<256x2048xf32>
    %sub3A = vector.broadcast %custom_jvp_call3A : f32 to vector<256x2048xf32>
    %sub3A_64 = arith.subf %concatenate3A, %sub3A : vector<256x2048xf32>
    %ne3A = arith.cmpf one, %sub3A_64, %sub3A_64 : vector<256x2048xf32>
    %add3A_65 = vector.broadcast %custom_jvp_call3A : f32 to vector<256x2048xf32>
    %add3A_66 = arith.addf %concatenate3A, %add3A_65 : vector<256x2048xf32>
    %abs3A = math.absf %sub3A_64 : vector<256x2048xf32>
    %neg3A = arith.constant 0.000000e+00 : f32
    %neg3A_67 = vector.broadcast %neg3A : f32 to vector<256x2048xf32>
    %neg3A_68 = arith.subf %neg3A_67, %abs3A : vector<256x2048xf32>
    %exp3A = math.exp %neg3A_68 : vector<256x2048xf32>
    %log1p3A = math.log1p %exp3A : vector<256x2048xf32>
    %add3A_69 = arith.addf %max3A_63, %log1p3A : vector<256x2048xf32>
    %select_n3A = arith.select %ne3A, %add3A_66, %add3A_69 : vector<256x2048xi1>, vector<256x2048xf32>
    %get3A_70 = arith.constant 0 : index
    %get3A_71 = arith.constant 0 : index
    %get3A_72 = vector.load %arg8[%get3A_70, %get3A_71] : memref<1024x256xbf16, #tpu.memory_space<vmem>>, vector<1024x256xbf16>
    %convert_element_type3A_73 = arith.truncf %select_n3A : vector<256x2048xf32> to vector<256x2048xbf16>
    %dot_general3A_74 = arith.constant dense<0.000000e+00> : vector<1024x2048xf32>
    %dot_general3A_75 = tpu.matmul %get3A_72, %convert_element_type3A_73, %dot_general3A_74 {dimension_numbers = #tpu.dot_dimension_numbers<[1], [0], [0], [1], [0, 0, 1, 1], [], []>, transpose_lhs_hint = false} : vector<1024x256xbf16>, vector<256x2048xbf16>, vector<1024x2048xf32> -> vector<1024x2048xf32>
    %mul3A_76 = arith.constant 2048 : i32
    %mul3A_77 = arith.muli %arg0, %mul3A_76 : i32
    %iota3A = tpu.iota {dimensions = array<i32: 1>} : vector<1024x2048xi32>
    %add3A_78 = vector.broadcast %mul3A_77 : i32 to vector<1024x2048xi32>
    %add3A_79 = arith.addi %add3A_78, %iota3A : vector<1024x2048xi32>
    %lt3A = arith.constant 100000 : i32
    %lt3A_80 = vector.broadcast %lt3A : i32 to vector<1024x2048xi32>
    %lt3A_81 = arith.cmpi slt, %add3A_79, %lt3A_80 : vector<1024x2048xi32>
    %jit3A = arith.constant -1.000000e+30 : f32
    %broadcast_in_dim3A = vector.broadcast %jit3A : f32 to vector<1024x2048xf32>
    %select_n3A_82 = arith.select %lt3A_81, %dot_general3A_75, %broadcast_in_dim3A : vector<1024x2048xi1>, vector<1024x2048xf32>
    %iota3A_83 = tpu.iota {dimensions = array<i32: 1>} : vector<1024x2048xi32>
    %convert_element_type3A_84 = arith.sitofp %iota3A_83 : vector<1024x2048xi32> to vector<1024x2048xf32>
    %reduce_max3A = arith.constant dense<0xFF800000> : vector<1024xf32>
    %reduce_max3A_85 = vector.multi_reduction <maximumf>, %select_n3A_82, %reduce_max3A [1] : vector<1024x2048xf32> to vector<1024xf32>
    %broadcast_in_dim3A_86 = vector.shape_cast %reduce_max3A_85 : vector<1024xf32> to vector<1024x1xf32>
    %eq3A_87 = vector.broadcast %broadcast_in_dim3A_86 : vector<1024x1xf32> to vector<1024x2048xf32>
    %eq3A_88 = arith.cmpf oeq, %select_n3A_82, %eq3A_87 : vector<1024x2048xf32>
    %jit3A_89 = arith.constant 3.000000e+09 : f32
    %broadcast_in_dim3A_90 = vector.broadcast %jit3A_89 : f32 to vector<1024x2048xf32>
    %select_n3A_91 = arith.select %eq3A_88, %convert_element_type3A_84, %broadcast_in_dim3A_90 : vector<1024x2048xi1>, vector<1024x2048xf32>
    %reduce_min3A = arith.constant dense<0x7F800000> : vector<1024xf32>
    %reduce_min3A_92 = vector.multi_reduction <minimumf>, %select_n3A_91, %reduce_min3A [1] : vector<1024x2048xf32> to vector<1024xf32>
    %broadcast_in_dim3A_93 = vector.shape_cast %reduce_min3A_92 : vector<1024xf32> to vector<1024x1xf32>
    %convert_element_type3A_94 = arith.fptosi %broadcast_in_dim3A_93 : vector<1024x1xf32> to vector<1024x1xi32>
    %add3A_95 = vector.broadcast %mul3A_77 : i32 to vector<1024x1xi32>
    %add3A_96 = arith.addi %convert_element_type3A_94, %add3A_95 : vector<1024x1xi32>
    %eq3A_97 = vector.broadcast %broadcast_in_dim3A_93 : vector<1024x1xf32> to vector<1024x2048xf32>
    %eq3A_98 = arith.cmpf oeq, %convert_element_type3A_84, %eq3A_97 : vector<1024x2048xf32>
    %jit3A_99 = arith.constant -1.000000e+30 : f32
    %broadcast_in_dim3A_100 = vector.broadcast %jit3A_99 : f32 to vector<1024x2048xf32>
    %select_n3A_101 = arith.select %eq3A_98, %broadcast_in_dim3A_100, %select_n3A_82 : vector<1024x2048xi1>, vector<1024x2048xf32>
    %reduce_max3A_102 = arith.constant dense<0xFF800000> : vector<1024xf32>
    %reduce_max3A_103 = vector.multi_reduction <maximumf>, %select_n3A_101, %reduce_max3A_102 [1] : vector<1024x2048xf32> to vector<1024xf32>
    %broadcast_in_dim3A_104 = vector.shape_cast %reduce_max3A_103 : vector<1024xf32> to vector<1024x1xf32>
    %eq3A_105 = vector.broadcast %broadcast_in_dim3A_104 : vector<1024x1xf32> to vector<1024x2048xf32>
    %eq3A_106 = arith.cmpf oeq, %select_n3A_101, %eq3A_105 : vector<1024x2048xf32>
    %jit3A_107 = arith.constant 3.000000e+09 : f32
    %broadcast_in_dim3A_108 = vector.broadcast %jit3A_107 : f32 to vector<1024x2048xf32>
    %select_n3A_109 = arith.select %eq3A_106, %convert_element_type3A_84, %broadcast_in_dim3A_108 : vector<1024x2048xi1>, vector<1024x2048xf32>
    %reduce_min3A_110 = arith.constant dense<0x7F800000> : vector<1024xf32>
    %reduce_min3A_111 = vector.multi_reduction <minimumf>, %select_n3A_109, %reduce_min3A_110 [1] : vector<1024x2048xf32> to vector<1024xf32>
    %broadcast_in_dim3A_112 = vector.shape_cast %reduce_min3A_111 : vector<1024xf32> to vector<1024x1xf32>
    %convert_element_type3A_113 = arith.fptosi %broadcast_in_dim3A_112 : vector<1024x1xf32> to vector<1024x1xi32>
    %add3A_114 = vector.broadcast %mul3A_77 : i32 to vector<1024x1xi32>
    %add3A_115 = arith.addi %convert_element_type3A_113, %add3A_114 : vector<1024x1xi32>
    %eq3A_116 = vector.broadcast %broadcast_in_dim3A_112 : vector<1024x1xf32> to vector<1024x2048xf32>
    %eq3A_117 = arith.cmpf oeq, %convert_element_type3A_84, %eq3A_116 : vector<1024x2048xf32>
    %jit3A_118 = arith.constant -1.000000e+30 : f32
    %broadcast_in_dim3A_119 = vector.broadcast %jit3A_118 : f32 to vector<1024x2048xf32>
    %select_n3A_120 = arith.select %eq3A_117, %broadcast_in_dim3A_119, %select_n3A_101 : vector<1024x2048xi1>, vector<1024x2048xf32>
    %reduce_max3A_121 = arith.constant dense<0xFF800000> : vector<1024xf32>
    %reduce_max3A_122 = vector.multi_reduction <maximumf>, %select_n3A_120, %reduce_max3A_121 [1] : vector<1024x2048xf32> to vector<1024xf32>
    %broadcast_in_dim3A_123 = vector.shape_cast %reduce_max3A_122 : vector<1024xf32> to vector<1024x1xf32>
    %eq3A_124 = vector.broadcast %broadcast_in_dim3A_123 : vector<1024x1xf32> to vector<1024x2048xf32>
    %eq3A_125 = arith.cmpf oeq, %select_n3A_120, %eq3A_124 : vector<1024x2048xf32>
    %jit3A_126 = arith.constant 3.000000e+09 : f32
    %broadcast_in_dim3A_127 = vector.broadcast %jit3A_126 : f32 to vector<1024x2048xf32>
    %select_n3A_128 = arith.select %eq3A_125, %convert_element_type3A_84, %broadcast_in_dim3A_127 : vector<1024x2048xi1>, vector<1024x2048xf32>
    %reduce_min3A_129 = arith.constant dense<0x7F800000> : vector<1024xf32>
    %reduce_min3A_130 = vector.multi_reduction <minimumf>, %select_n3A_128, %reduce_min3A_129 [1] : vector<1024x2048xf32> to vector<1024xf32>
    %broadcast_in_dim3A_131 = vector.shape_cast %reduce_min3A_130 : vector<1024xf32> to vector<1024x1xf32>
    %convert_element_type3A_132 = arith.fptosi %broadcast_in_dim3A_131 : vector<1024x1xf32> to vector<1024x1xi32>
    %add3A_133 = vector.broadcast %mul3A_77 : i32 to vector<1024x1xi32>
    %add3A_134 = arith.addi %convert_element_type3A_132, %add3A_133 : vector<1024x1xi32>
    %eq3A_135 = vector.broadcast %broadcast_in_dim3A_131 : vector<1024x1xf32> to vector<1024x2048xf32>
    %eq3A_136 = arith.cmpf oeq, %convert_element_type3A_84, %eq3A_135 : vector<1024x2048xf32>
    %jit3A_137 = arith.constant -1.000000e+30 : f32
    %broadcast_in_dim3A_138 = vector.broadcast %jit3A_137 : f32 to vector<1024x2048xf32>
    %select_n3A_139 = arith.select %eq3A_136, %broadcast_in_dim3A_138, %select_n3A_120 : vector<1024x2048xi1>, vector<1024x2048xf32>
    %reduce_max3A_140 = arith.constant dense<0xFF800000> : vector<1024xf32>
    %reduce_max3A_141 = vector.multi_reduction <maximumf>, %select_n3A_139, %reduce_max3A_140 [1] : vector<1024x2048xf32> to vector<1024xf32>
    %broadcast_in_dim3A_142 = vector.shape_cast %reduce_max3A_141 : vector<1024xf32> to vector<1024x1xf32>
    %eq3A_143 = vector.broadcast %broadcast_in_dim3A_142 : vector<1024x1xf32> to vector<1024x2048xf32>
    %eq3A_144 = arith.cmpf oeq, %select_n3A_139, %eq3A_143 : vector<1024x2048xf32>
    %jit3A_145 = arith.constant 3.000000e+09 : f32
    %broadcast_in_dim3A_146 = vector.broadcast %jit3A_145 : f32 to vector<1024x2048xf32>
    %select_n3A_147 = arith.select %eq3A_144, %convert_element_type3A_84, %broadcast_in_dim3A_146 : vector<1024x2048xi1>, vector<1024x2048xf32>
    %reduce_min3A_148 = arith.constant dense<0x7F800000> : vector<1024xf32>
    %reduce_min3A_149 = vector.multi_reduction <minimumf>, %select_n3A_147, %reduce_min3A_148 [1] : vector<1024x2048xf32> to vector<1024xf32>
    %broadcast_in_dim3A_150 = vector.shape_cast %reduce_min3A_149 : vector<1024xf32> to vector<1024x1xf32>
    %convert_element_type3A_151 = arith.fptosi %broadcast_in_dim3A_150 : vector<1024x1xf32> to vector<1024x1xi32>
    %add3A_152 = vector.broadcast %mul3A_77 : i32 to vector<1024x1xi32>
    %add3A_153 = arith.addi %convert_element_type3A_151, %add3A_152 : vector<1024x1xi32>
    %eq3A_154 = vector.broadcast %broadcast_in_dim3A_150 : vector<1024x1xf32> to vector<1024x2048xf32>
    %eq3A_155 = arith.cmpf oeq, %convert_element_type3A_84, %eq3A_154 : vector<1024x2048xf32>
    %jit3A_156 = arith.constant -1.000000e+30 : f32
    %broadcast_in_dim3A_157 = vector.broadcast %jit3A_156 : f32 to vector<1024x2048xf32>
    %select_n3A_158 = arith.select %eq3A_155, %broadcast_in_dim3A_157, %select_n3A_139 : vector<1024x2048xi1>, vector<1024x2048xf32>
    %reduce_max3A_159 = arith.constant dense<0xFF800000> : vector<1024xf32>
    %reduce_max3A_160 = vector.multi_reduction <maximumf>, %select_n3A_158, %reduce_max3A_159 [1] : vector<1024x2048xf32> to vector<1024xf32>
    %broadcast_in_dim3A_161 = vector.shape_cast %reduce_max3A_160 : vector<1024xf32> to vector<1024x1xf32>
    %eq3A_162 = vector.broadcast %broadcast_in_dim3A_161 : vector<1024x1xf32> to vector<1024x2048xf32>
    %eq3A_163 = arith.cmpf oeq, %select_n3A_158, %eq3A_162 : vector<1024x2048xf32>
    %jit3A_164 = arith.constant 3.000000e+09 : f32
    %broadcast_in_dim3A_165 = vector.broadcast %jit3A_164 : f32 to vector<1024x2048xf32>
    %select_n3A_166 = arith.select %eq3A_163, %convert_element_type3A_84, %broadcast_in_dim3A_165 : vector<1024x2048xi1>, vector<1024x2048xf32>
    %reduce_min3A_167 = arith.constant dense<0x7F800000> : vector<1024xf32>
    %reduce_min3A_168 = vector.multi_reduction <minimumf>, %select_n3A_166, %reduce_min3A_167 [1] : vector<1024x2048xf32> to vector<1024xf32>
    %broadcast_in_dim3A_169 = vector.shape_cast %reduce_min3A_168 : vector<1024xf32> to vector<1024x1xf32>
    %convert_element_type3A_170 = arith.fptosi %broadcast_in_dim3A_169 : vector<1024x1xf32> to vector<1024x1xi32>
    %add3A_171 = vector.broadcast %mul3A_77 : i32 to vector<1024x1xi32>
    %add3A_172 = arith.addi %convert_element_type3A_170, %add3A_171 : vector<1024x1xi32>
    %get3A_173 = arith.constant 0 : index
    %get3A_174 = arith.constant 0 : index
    %get3A_175 = vector.load %arg9[%get3A_173, %get3A_174] : memref<1024x128xf32, #tpu.memory_space<vmem>>, vector<1024x128xf32>
    %get3A_176 = arith.constant 0 : index
    %get3A_177 = arith.constant 0 : index
    %get3A_178 = vector.load %arg10[%get3A_176, %get3A_177] : memref<1024x128xi32, #tpu.memory_space<vmem>>, vector<1024x128xi32>
    %iota3A_179 = tpu.iota {dimensions = array<i32: 1>} : vector<1024x128xi32>
    %convert_element_type3A_180 = arith.sitofp %iota3A_179 : vector<1024x128xi32> to vector<1024x128xf32>
    %eq3A_181 = arith.constant 5 : i32
    %eq3A_182 = vector.broadcast %eq3A_181 : i32 to vector<1024x128xi32>
    %eq3A_183 = arith.cmpi eq, %iota3A_179, %eq3A_182 : vector<1024x128xi32>
    %broadcast_in_dim3A_184 = vector.shape_cast %broadcast_in_dim3A_86 : vector<1024x1xf32> to vector<1024x1xf32>
    %broadcast_in_dim3A_185 = vector.broadcast %broadcast_in_dim3A_184 : vector<1024x1xf32> to vector<1024x128xf32>
    %select_n3A_186 = arith.select %eq3A_183, %broadcast_in_dim3A_185, %get3A_175 : vector<1024x128xi1>, vector<1024x128xf32>
    %eq3A_187 = arith.constant 5 : i32
    %eq3A_188 = vector.broadcast %eq3A_187 : i32 to vector<1024x128xi32>
    %eq3A_189 = arith.cmpi eq, %iota3A_179, %eq3A_188 : vector<1024x128xi32>
    %broadcast_in_dim3A_190 = vector.shape_cast %add3A_96 : vector<1024x1xi32> to vector<1024x1xi32>
    %broadcast_in_dim3A_191 = vector.broadcast %broadcast_in_dim3A_190 : vector<1024x1xi32> to vector<1024x128xi32>
    %select_n3A_192 = arith.select %eq3A_189, %broadcast_in_dim3A_191, %get3A_178 : vector<1024x128xi1>, vector<1024x128xi32>
    %eq3A_193 = arith.constant 6 : i32
    %eq3A_194 = vector.broadcast %eq3A_193 : i32 to vector<1024x128xi32>
    %eq3A_195 = arith.cmpi eq, %iota3A_179, %eq3A_194 : vector<1024x128xi32>
    %broadcast_in_dim3A_196 = vector.shape_cast %broadcast_in_dim3A_104 : vector<1024x1xf32> to vector<1024x1xf32>
    %broadcast_in_dim3A_197 = vector.broadcast %broadcast_in_dim3A_196 : vector<1024x1xf32> to vector<1024x128xf32>
    %select_n3A_198 = arith.select %eq3A_195, %broadcast_in_dim3A_197, %select_n3A_186 : vector<1024x128xi1>, vector<1024x128xf32>
    %eq3A_199 = arith.constant 6 : i32
    %eq3A_200 = vector.broadcast %eq3A_199 : i32 to vector<1024x128xi32>
    %eq3A_201 = arith.cmpi eq, %iota3A_179, %eq3A_200 : vector<1024x128xi32>
    %broadcast_in_dim3A_202 = vector.shape_cast %add3A_115 : vector<1024x1xi32> to vector<1024x1xi32>
    %broadcast_in_dim3A_203 = vector.broadcast %broadcast_in_dim3A_202 : vector<1024x1xi32> to vector<1024x128xi32>
    %select_n3A_204 = arith.select %eq3A_201, %broadcast_in_dim3A_203, %select_n3A_192 : vector<1024x128xi1>, vector<1024x128xi32>
    %eq3A_205 = arith.constant 7 : i32
    %eq3A_206 = vector.broadcast %eq3A_205 : i32 to vector<1024x128xi32>
    %eq3A_207 = arith.cmpi eq, %iota3A_179, %eq3A_206 : vector<1024x128xi32>
    %broadcast_in_dim3A_208 = vector.shape_cast %broadcast_in_dim3A_123 : vector<1024x1xf32> to vector<1024x1xf32>
    %broadcast_in_dim3A_209 = vector.broadcast %broadcast_in_dim3A_208 : vector<1024x1xf32> to vector<1024x128xf32>
    %select_n3A_210 = arith.select %eq3A_207, %broadcast_in_dim3A_209, %select_n3A_198 : vector<1024x128xi1>, vector<1024x128xf32>
    %eq3A_211 = arith.constant 7 : i32
    %eq3A_212 = vector.broadcast %eq3A_211 : i32 to vector<1024x128xi32>
    %eq3A_213 = arith.cmpi eq, %iota3A_179, %eq3A_212 : vector<1024x128xi32>
    %broadcast_in_dim3A_214 = vector.shape_cast %add3A_134 : vector<1024x1xi32> to vector<1024x1xi32>
    %broadcast_in_dim3A_215 = vector.broadcast %broadcast_in_dim3A_214 : vector<1024x1xi32> to vector<1024x128xi32>
    %select_n3A_216 = arith.select %eq3A_213, %broadcast_in_dim3A_215, %select_n3A_204 : vector<1024x128xi1>, vector<1024x128xi32>
    %eq3A_217 = arith.constant 8 : i32
    %eq3A_218 = vector.broadcast %eq3A_217 : i32 to vector<1024x128xi32>
    %eq3A_219 = arith.cmpi eq, %iota3A_179, %eq3A_218 : vector<1024x128xi32>
    %broadcast_in_dim3A_220 = vector.shape_cast %broadcast_in_dim3A_142 : vector<1024x1xf32> to vector<1024x1xf32>
    %broadcast_in_dim3A_221 = vector.broadcast %broadcast_in_dim3A_220 : vector<1024x1xf32> to vector<1024x128xf32>
    %select_n3A_222 = arith.select %eq3A_219, %broadcast_in_dim3A_221, %select_n3A_210 : vector<1024x128xi1>, vector<1024x128xf32>
    %eq3A_223 = arith.constant 8 : i32
    %eq3A_224 = vector.broadcast %eq3A_223 : i32 to vector<1024x128xi32>
    %eq3A_225 = arith.cmpi eq, %iota3A_179, %eq3A_224 : vector<1024x128xi32>
    %broadcast_in_dim3A_226 = vector.shape_cast %add3A_153 : vector<1024x1xi32> to vector<1024x1xi32>
    %broadcast_in_dim3A_227 = vector.broadcast %broadcast_in_dim3A_226 : vector<1024x1xi32> to vector<1024x128xi32>
    %select_n3A_228 = arith.select %eq3A_225, %broadcast_in_dim3A_227, %select_n3A_216 : vector<1024x128xi1>, vector<1024x128xi32>
    %eq3A_229 = arith.constant 9 : i32
    %eq3A_230 = vector.broadcast %eq3A_229 : i32 to vector<1024x128xi32>
    %eq3A_231 = arith.cmpi eq, %iota3A_179, %eq3A_230 : vector<1024x128xi32>
    %broadcast_in_dim3A_232 = vector.shape_cast %broadcast_in_dim3A_161 : vector<1024x1xf32> to vector<1024x1xf32>
    %broadcast_in_dim3A_233 = vector.broadcast %broadcast_in_dim3A_232 : vector<1024x1xf32> to vector<1024x128xf32>
    %select_n3A_234 = arith.select %eq3A_231, %broadcast_in_dim3A_233, %select_n3A_222 : vector<1024x128xi1>, vector<1024x128xf32>
    %eq3A_235 = arith.constant 9 : i32
    %eq3A_236 = vector.broadcast %eq3A_235 : i32 to vector<1024x128xi32>
    %eq3A_237 = arith.cmpi eq, %iota3A_179, %eq3A_236 : vector<1024x128xi32>
    %broadcast_in_dim3A_238 = vector.shape_cast %add3A_172 : vector<1024x1xi32> to vector<1024x1xi32>
    %broadcast_in_dim3A_239 = vector.broadcast %broadcast_in_dim3A_238 : vector<1024x1xi32> to vector<1024x128xi32>
    %select_n3A_240 = arith.select %eq3A_237, %broadcast_in_dim3A_239, %select_n3A_228 : vector<1024x128xi1>, vector<1024x128xi32>
    %reduce_max3A_241 = arith.constant dense<0xFF800000> : vector<1024xf32>
    %reduce_max3A_242 = vector.multi_reduction <maximumf>, %select_n3A_234, %reduce_max3A_241 [1] : vector<1024x128xf32> to vector<1024xf32>
    %broadcast_in_dim3A_243 = vector.shape_cast %reduce_max3A_242 : vector<1024xf32> to vector<1024x1xf32>
    %eq3A_244 = vector.broadcast %broadcast_in_dim3A_243 : vector<1024x1xf32> to vector<1024x128xf32>
    %eq3A_245 = arith.cmpf oeq, %select_n3A_234, %eq3A_244 : vector<1024x128xf32>
    %jit3A_246 = arith.constant 3.000000e+09 : f32
    %broadcast_in_dim3A_247 = vector.broadcast %jit3A_246 : f32 to vector<1024x128xf32>
    %select_n3A_248 = arith.select %eq3A_245, %convert_element_type3A_180, %broadcast_in_dim3A_247 : vector<1024x128xi1>, vector<1024x128xf32>
    %reduce_min3A_249 = arith.constant dense<0x7F800000> : vector<1024xf32>
    %reduce_min3A_250 = vector.multi_reduction <minimumf>, %select_n3A_248, %reduce_min3A_249 [1] : vector<1024x128xf32> to vector<1024xf32>
    %broadcast_in_dim3A_251 = vector.shape_cast %reduce_min3A_250 : vector<1024xf32> to vector<1024x1xf32>
    %convert_element_type3A_252 = arith.fptosi %broadcast_in_dim3A_251 : vector<1024x1xf32> to vector<1024x1xi32>
    %eq3A_253 = vector.broadcast %convert_element_type3A_252 : vector<1024x1xi32> to vector<1024x128xi32>
    %eq3A_254 = arith.cmpi eq, %iota3A_179, %eq3A_253 : vector<1024x128xi32>
    %jit3A_255 = arith.constant 0 : i32
    %broadcast_in_dim3A_256 = vector.broadcast %jit3A_255 : i32 to vector<1024x128xi32>
    %select_n3A_257 = arith.select %eq3A_254, %select_n3A_240, %broadcast_in_dim3A_256 : vector<1024x128xi1>, vector<1024x128xi32>
    %reduce_sum3A = arith.constant dense<0> : vector<1024xi32>
    %reduce_sum3A_258 = vector.multi_reduction <add>, %select_n3A_257, %reduce_sum3A [1] : vector<1024x128xi32> to vector<1024xi32>
    %broadcast_in_dim3A_259 = vector.shape_cast %reduce_sum3A_258 : vector<1024xi32> to vector<1024x1xi32>
    %eq3A_260 = vector.broadcast %broadcast_in_dim3A_251 : vector<1024x1xf32> to vector<1024x128xf32>
    %eq3A_261 = arith.cmpf oeq, %convert_element_type3A_180, %eq3A_260 : vector<1024x128xf32>
    %jit3A_262 = arith.constant -1.000000e+30 : f32
    %broadcast_in_dim3A_263 = vector.broadcast %jit3A_262 : f32 to vector<1024x128xf32>
    %select_n3A_264 = arith.select %eq3A_261, %broadcast_in_dim3A_263, %select_n3A_234 : vector<1024x128xi1>, vector<1024x128xf32>
    %reduce_max3A_265 = arith.constant dense<0xFF800000> : vector<1024xf32>
    %reduce_max3A_266 = vector.multi_reduction <maximumf>, %select_n3A_264, %reduce_max3A_265 [1] : vector<1024x128xf32> to vector<1024xf32>
    %broadcast_in_dim3A_267 = vector.shape_cast %reduce_max3A_266 : vector<1024xf32> to vector<1024x1xf32>
    %eq3A_268 = vector.broadcast %broadcast_in_dim3A_267 : vector<1024x1xf32> to vector<1024x128xf32>
    %eq3A_269 = arith.cmpf oeq, %select_n3A_264, %eq3A_268 : vector<1024x128xf32>
    %jit3A_270 = arith.constant 3.000000e+09 : f32
    %broadcast_in_dim3A_271 = vector.broadcast %jit3A_270 : f32 to vector<1024x128xf32>
    %select_n3A_272 = arith.select %eq3A_269, %convert_element_type3A_180, %broadcast_in_dim3A_271 : vector<1024x128xi1>, vector<1024x128xf32>
    %reduce_min3A_273 = arith.constant dense<0x7F800000> : vector<1024xf32>
    %reduce_min3A_274 = vector.multi_reduction <minimumf>, %select_n3A_272, %reduce_min3A_273 [1] : vector<1024x128xf32> to vector<1024xf32>
    %broadcast_in_dim3A_275 = vector.shape_cast %reduce_min3A_274 : vector<1024xf32> to vector<1024x1xf32>
    %convert_element_type3A_276 = arith.fptosi %broadcast_in_dim3A_275 : vector<1024x1xf32> to vector<1024x1xi32>
    %eq3A_277 = vector.broadcast %convert_element_type3A_276 : vector<1024x1xi32> to vector<1024x128xi32>
    %eq3A_278 = arith.cmpi eq, %iota3A_179, %eq3A_277 : vector<1024x128xi32>
    %jit3A_279 = arith.constant 0 : i32
    %broadcast_in_dim3A_280 = vector.broadcast %jit3A_279 : i32 to vector<1024x128xi32>
    %select_n3A_281 = arith.select %eq3A_278, %select_n3A_240, %broadcast_in_dim3A_280 : vector<1024x128xi1>, vector<1024x128xi32>
    %reduce_sum3A_282 = arith.constant dense<0> : vector<1024xi32>
    %reduce_sum3A_283 = vector.multi_reduction <add>, %select_n3A_281, %reduce_sum3A_282 [1] : vector<1024x128xi32> to vector<1024xi32>
    %broadcast_in_dim3A_284 = vector.shape_cast %reduce_sum3A_283 : vector<1024xi32> to vector<1024x1xi32>
    %eq3A_285 = vector.broadcast %broadcast_in_dim3A_275 : vector<1024x1xf32> to vector<1024x128xf32>
    %eq3A_286 = arith.cmpf oeq, %convert_element_type3A_180, %eq3A_285 : vector<1024x128xf32>
    %jit3A_287 = arith.constant -1.000000e+30 : f32
    %broadcast_in_dim3A_288 = vector.broadcast %jit3A_287 : f32 to vector<1024x128xf32>
    %select_n3A_289 = arith.select %eq3A_286, %broadcast_in_dim3A_288, %select_n3A_264 : vector<1024x128xi1>, vector<1024x128xf32>
    %reduce_max3A_290 = arith.constant dense<0xFF800000> : vector<1024xf32>
    %reduce_max3A_291 = vector.multi_reduction <maximumf>, %select_n3A_289, %reduce_max3A_290 [1] : vector<1024x128xf32> to vector<1024xf32>
    %broadcast_in_dim3A_292 = vector.shape_cast %reduce_max3A_291 : vector<1024xf32> to vector<1024x1xf32>
    %eq3A_293 = vector.broadcast %broadcast_in_dim3A_292 : vector<1024x1xf32> to vector<1024x128xf32>
    %eq3A_294 = arith.cmpf oeq, %select_n3A_289, %eq3A_293 : vector<1024x128xf32>
    %jit3A_295 = arith.constant 3.000000e+09 : f32
    %broadcast_in_dim3A_296 = vector.broadcast %jit3A_295 : f32 to vector<1024x128xf32>
    %select_n3A_297 = arith.select %eq3A_294, %convert_element_type3A_180, %broadcast_in_dim3A_296 : vector<1024x128xi1>, vector<1024x128xf32>
    %reduce_min3A_298 = arith.constant dense<0x7F800000> : vector<1024xf32>
    %reduce_min3A_299 = vector.multi_reduction <minimumf>, %select_n3A_297, %reduce_min3A_298 [1] : vector<1024x128xf32> to vector<1024xf32>
    %broadcast_in_dim3A_300 = vector.shape_cast %reduce_min3A_299 : vector<1024xf32> to vector<1024x1xf32>
    %convert_element_type3A_301 = arith.fptosi %broadcast_in_dim3A_300 : vector<1024x1xf32> to vector<1024x1xi32>
    %eq3A_302 = vector.broadcast %convert_element_type3A_301 : vector<1024x1xi32> to vector<1024x128xi32>
    %eq3A_303 = arith.cmpi eq, %iota3A_179, %eq3A_302 : vector<1024x128xi32>
    %jit3A_304 = arith.constant 0 : i32
    %broadcast_in_dim3A_305 = vector.broadcast %jit3A_304 : i32 to vector<1024x128xi32>
    %select_n3A_306 = arith.select %eq3A_303, %select_n3A_240, %broadcast_in_dim3A_305 : vector<1024x128xi1>, vector<1024x128xi32>
    %reduce_sum3A_307 = arith.constant dense<0> : vector<1024xi32>
    %reduce_sum3A_308 = vector.multi_reduction <add>, %select_n3A_306, %reduce_sum3A_307 [1] : vector<1024x128xi32> to vector<1024xi32>
    %broadcast_in_dim3A_309 = vector.shape_cast %reduce_sum3A_308 : vector<1024xi32> to vector<1024x1xi32>
    %eq3A_310 = vector.broadcast %broadcast_in_dim3A_300 : vector<1024x1xf32> to vector<1024x128xf32>
    %eq3A_311 = arith.cmpf oeq, %convert_element_type3A_180, %eq3A_310 : vector<1024x128xf32>
    %jit3A_312 = arith.constant -1.000000e+30 : f32
    %broadcast_in_dim3A_313 = vector.broadcast %jit3A_312 : f32 to vector<1024x128xf32>
    %select_n3A_314 = arith.select %eq3A_311, %broadcast_in_dim3A_313, %select_n3A_289 : vector<1024x128xi1>, vector<1024x128xf32>
    %reduce_max3A_315 = arith.constant dense<0xFF800000> : vector<1024xf32>
    %reduce_max3A_316 = vector.multi_reduction <maximumf>, %select_n3A_314, %reduce_max3A_315 [1] : vector<1024x128xf32> to vector<1024xf32>
    %broadcast_in_dim3A_317 = vector.shape_cast %reduce_max3A_316 : vector<1024xf32> to vector<1024x1xf32>
    %eq3A_318 = vector.broadcast %broadcast_in_dim3A_317 : vector<1024x1xf32> to vector<1024x128xf32>
    %eq3A_319 = arith.cmpf oeq, %select_n3A_314, %eq3A_318 : vector<1024x128xf32>
    %jit3A_320 = arith.constant 3.000000e+09 : f32
    %broadcast_in_dim3A_321 = vector.broadcast %jit3A_320 : f32 to vector<1024x128xf32>
    %select_n3A_322 = arith.select %eq3A_319, %convert_element_type3A_180, %broadcast_in_dim3A_321 : vector<1024x128xi1>, vector<1024x128xf32>
    %reduce_min3A_323 = arith.constant dense<0x7F800000> : vector<1024xf32>
    %reduce_min3A_324 = vector.multi_reduction <minimumf>, %select_n3A_322, %reduce_min3A_323 [1] : vector<1024x128xf32> to vector<1024xf32>
    %broadcast_in_dim3A_325 = vector.shape_cast %reduce_min3A_324 : vector<1024xf32> to vector<1024x1xf32>
    %convert_element_type3A_326 = arith.fptosi %broadcast_in_dim3A_325 : vector<1024x1xf32> to vector<1024x1xi32>
    %eq3A_327 = vector.broadcast %convert_element_type3A_326 : vector<1024x1xi32> to vector<1024x128xi32>
    %eq3A_328 = arith.cmpi eq, %iota3A_179, %eq3A_327 : vector<1024x128xi32>
    %jit3A_329 = arith.constant 0 : i32
    %broadcast_in_dim3A_330 = vector.broadcast %jit3A_329 : i32 to vector<1024x128xi32>
    %select_n3A_331 = arith.select %eq3A_328, %select_n3A_240, %broadcast_in_dim3A_330 : vector<1024x128xi1>, vector<1024x128xi32>
    %reduce_sum3A_332 = arith.constant dense<0> : vector<1024xi32>
    %reduce_sum3A_333 = vector.multi_reduction <add>, %select_n3A_331, %reduce_sum3A_332 [1] : vector<1024x128xi32> to vector<1024xi32>
    %broadcast_in_dim3A_334 = vector.shape_cast %reduce_sum3A_333 : vector<1024xi32> to vector<1024x1xi32>
    %eq3A_335 = vector.broadcast %broadcast_in_dim3A_325 : vector<1024x1xf32> to vector<1024x128xf32>
    %eq3A_336 = arith.cmpf oeq, %convert_element_type3A_180, %eq3A_335 : vector<1024x128xf32>
    %jit3A_337 = arith.constant -1.000000e+30 : f32
    %broadcast_in_dim3A_338 = vector.broadcast %jit3A_337 : f32 to vector<1024x128xf32>
    %select_n3A_339 = arith.select %eq3A_336, %broadcast_in_dim3A_338, %select_n3A_314 : vector<1024x128xi1>, vector<1024x128xf32>
    %reduce_max3A_340 = arith.constant dense<0xFF800000> : vector<1024xf32>
    %reduce_max3A_341 = vector.multi_reduction <maximumf>, %select_n3A_339, %reduce_max3A_340 [1] : vector<1024x128xf32> to vector<1024xf32>
    %broadcast_in_dim3A_342 = vector.shape_cast %reduce_max3A_341 : vector<1024xf32> to vector<1024x1xf32>
    %eq3A_343 = vector.broadcast %broadcast_in_dim3A_342 : vector<1024x1xf32> to vector<1024x128xf32>
    %eq3A_344 = arith.cmpf oeq, %select_n3A_339, %eq3A_343 : vector<1024x128xf32>
    %jit3A_345 = arith.constant 3.000000e+09 : f32
    %broadcast_in_dim3A_346 = vector.broadcast %jit3A_345 : f32 to vector<1024x128xf32>
    %select_n3A_347 = arith.select %eq3A_344, %convert_element_type3A_180, %broadcast_in_dim3A_346 : vector<1024x128xi1>, vector<1024x128xf32>
    %reduce_min3A_348 = arith.constant dense<0x7F800000> : vector<1024xf32>
    %reduce_min3A_349 = vector.multi_reduction <minimumf>, %select_n3A_347, %reduce_min3A_348 [1] : vector<1024x128xf32> to vector<1024xf32>
    %broadcast_in_dim3A_350 = vector.shape_cast %reduce_min3A_349 : vector<1024xf32> to vector<1024x1xf32>
    %convert_element_type3A_351 = arith.fptosi %broadcast_in_dim3A_350 : vector<1024x1xf32> to vector<1024x1xi32>
    %eq3A_352 = vector.broadcast %convert_element_type3A_351 : vector<1024x1xi32> to vector<1024x128xi32>
    %eq3A_353 = arith.cmpi eq, %iota3A_179, %eq3A_352 : vector<1024x128xi32>
    %jit3A_354 = arith.constant 0 : i32
    %broadcast_in_dim3A_355 = vector.broadcast %jit3A_354 : i32 to vector<1024x128xi32>
    %select_n3A_356 = arith.select %eq3A_353, %select_n3A_240, %broadcast_in_dim3A_355 : vector<1024x128xi1>, vector<1024x128xi32>
    %reduce_sum3A_357 = arith.constant dense<0> : vector<1024xi32>
    %reduce_sum3A_358 = vector.multi_reduction <add>, %select_n3A_356, %reduce_sum3A_357 [1] : vector<1024x128xi32> to vector<1024xi32>
    %broadcast_in_dim3A_359 = vector.shape_cast %reduce_sum3A_358 : vector<1024xi32> to vector<1024x1xi32>
    %broadcast_in_dim3A_360 = arith.constant -1.000000e+30 : f32
    %broadcast_in_dim3A_361 = vector.broadcast %broadcast_in_dim3A_360 : f32 to vector<1024x128xf32>
    %broadcast_in_dim3A_362 = arith.constant 0 : i32
    %broadcast_in_dim3A_363 = vector.broadcast %broadcast_in_dim3A_362 : i32 to vector<1024x128xi32>
    %eq3A_364 = arith.constant 0 : i32
    %eq3A_365 = vector.broadcast %eq3A_364 : i32 to vector<1024x128xi32>
    %eq3A_366 = arith.cmpi eq, %iota3A_179, %eq3A_365 : vector<1024x128xi32>
    %broadcast_in_dim3A_367 = vector.shape_cast %broadcast_in_dim3A_243 : vector<1024x1xf32> to vector<1024x1xf32>
    %broadcast_in_dim3A_368 = vector.broadcast %broadcast_in_dim3A_367 : vector<1024x1xf32> to vector<1024x128xf32>
    %select_n3A_369 = arith.select %eq3A_366, %broadcast_in_dim3A_368, %broadcast_in_dim3A_361 : vector<1024x128xi1>, vector<1024x128xf32>
    %eq3A_370 = arith.constant 0 : i32
    %eq3A_371 = vector.broadcast %eq3A_370 : i32 to vector<1024x128xi32>
    %eq3A_372 = arith.cmpi eq, %iota3A_179, %eq3A_371 : vector<1024x128xi32>
    %broadcast_in_dim3A_373 = vector.shape_cast %broadcast_in_dim3A_259 : vector<1024x1xi32> to vector<1024x1xi32>
    %broadcast_in_dim3A_374 = vector.broadcast %broadcast_in_dim3A_373 : vector<1024x1xi32> to vector<1024x128xi32>
    %select_n3A_375 = arith.select %eq3A_372, %broadcast_in_dim3A_374, %broadcast_in_dim3A_363 : vector<1024x128xi1>, vector<1024x128xi32>
    %eq3A_376 = arith.constant 1 : i32
    %eq3A_377 = vector.broadcast %eq3A_376 : i32 to vector<1024x128xi32>
    %eq3A_378 = arith.cmpi eq, %iota3A_179, %eq3A_377 : vector<1024x128xi32>
    %broadcast_in_dim3A_379 = vector.shape_cast %broadcast_in_dim3A_267 : vector<1024x1xf32> to vector<1024x1xf32>
    %broadcast_in_dim3A_380 = vector.broadcast %broadcast_in_dim3A_379 : vector<1024x1xf32> to vector<1024x128xf32>
    %select_n3A_381 = arith.select %eq3A_378, %broadcast_in_dim3A_380, %select_n3A_369 : vector<1024x128xi1>, vector<1024x128xf32>
    %eq3A_382 = arith.constant 1 : i32
    %eq3A_383 = vector.broadcast %eq3A_382 : i32 to vector<1024x128xi32>
    %eq3A_384 = arith.cmpi eq, %iota3A_179, %eq3A_383 : vector<1024x128xi32>
    %broadcast_in_dim3A_385 = vector.shape_cast %broadcast_in_dim3A_284 : vector<1024x1xi32> to vector<1024x1xi32>
    %broadcast_in_dim3A_386 = vector.broadcast %broadcast_in_dim3A_385 : vector<1024x1xi32> to vector<1024x128xi32>
    %select_n3A_387 = arith.select %eq3A_384, %broadcast_in_dim3A_386, %select_n3A_375 : vector<1024x128xi1>, vector<1024x128xi32>
    %eq3A_388 = arith.constant 2 : i32
    %eq3A_389 = vector.broadcast %eq3A_388 : i32 to vector<1024x128xi32>
    %eq3A_390 = arith.cmpi eq, %iota3A_179, %eq3A_389 : vector<1024x128xi32>
    %broadcast_in_dim3A_391 = vector.shape_cast %broadcast_in_dim3A_292 : vector<1024x1xf32> to vector<1024x1xf32>
    %broadcast_in_dim3A_392 = vector.broadcast %broadcast_in_dim3A_391 : vector<1024x1xf32> to vector<1024x128xf32>
    %select_n3A_393 = arith.select %eq3A_390, %broadcast_in_dim3A_392, %select_n3A_381 : vector<1024x128xi1>, vector<1024x128xf32>
    %eq3A_394 = arith.constant 2 : i32
    %eq3A_395 = vector.broadcast %eq3A_394 : i32 to vector<1024x128xi32>
    %eq3A_396 = arith.cmpi eq, %iota3A_179, %eq3A_395 : vector<1024x128xi32>
    %broadcast_in_dim3A_397 = vector.shape_cast %broadcast_in_dim3A_309 : vector<1024x1xi32> to vector<1024x1xi32>
    %broadcast_in_dim3A_398 = vector.broadcast %broadcast_in_dim3A_397 : vector<1024x1xi32> to vector<1024x128xi32>
    %select_n3A_399 = arith.select %eq3A_396, %broadcast_in_dim3A_398, %select_n3A_387 : vector<1024x128xi1>, vector<1024x128xi32>
    %eq3A_400 = arith.constant 3 : i32
    %eq3A_401 = vector.broadcast %eq3A_400 : i32 to vector<1024x128xi32>
    %eq3A_402 = arith.cmpi eq, %iota3A_179, %eq3A_401 : vector<1024x128xi32>
    %broadcast_in_dim3A_403 = vector.shape_cast %broadcast_in_dim3A_317 : vector<1024x1xf32> to vector<1024x1xf32>
    %broadcast_in_dim3A_404 = vector.broadcast %broadcast_in_dim3A_403 : vector<1024x1xf32> to vector<1024x128xf32>
    %select_n3A_405 = arith.select %eq3A_402, %broadcast_in_dim3A_404, %select_n3A_393 : vector<1024x128xi1>, vector<1024x128xf32>
    %eq3A_406 = arith.constant 3 : i32
    %eq3A_407 = vector.broadcast %eq3A_406 : i32 to vector<1024x128xi32>
    %eq3A_408 = arith.cmpi eq, %iota3A_179, %eq3A_407 : vector<1024x128xi32>
    %broadcast_in_dim3A_409 = vector.shape_cast %broadcast_in_dim3A_334 : vector<1024x1xi32> to vector<1024x1xi32>
    %broadcast_in_dim3A_410 = vector.broadcast %broadcast_in_dim3A_409 : vector<1024x1xi32> to vector<1024x128xi32>
    %select_n3A_411 = arith.select %eq3A_408, %broadcast_in_dim3A_410, %select_n3A_399 : vector<1024x128xi1>, vector<1024x128xi32>
    %eq3A_412 = arith.constant 4 : i32
    %eq3A_413 = vector.broadcast %eq3A_412 : i32 to vector<1024x128xi32>
    %eq3A_414 = arith.cmpi eq, %iota3A_179, %eq3A_413 : vector<1024x128xi32>
    %broadcast_in_dim3A_415 = vector.shape_cast %broadcast_in_dim3A_342 : vector<1024x1xf32> to vector<1024x1xf32>
    %broadcast_in_dim3A_416 = vector.broadcast %broadcast_in_dim3A_415 : vector<1024x1xf32> to vector<1024x128xf32>
    %select_n3A_417 = arith.select %eq3A_414, %broadcast_in_dim3A_416, %select_n3A_405 : vector<1024x128xi1>, vector<1024x128xf32>
    %eq3A_418 = arith.constant 4 : i32
    %eq3A_419 = vector.broadcast %eq3A_418 : i32 to vector<1024x128xi32>
    %eq3A_420 = arith.cmpi eq, %iota3A_179, %eq3A_419 : vector<1024x128xi32>
    %broadcast_in_dim3A_421 = vector.shape_cast %broadcast_in_dim3A_359 : vector<1024x1xi32> to vector<1024x1xi32>
    %broadcast_in_dim3A_422 = vector.broadcast %broadcast_in_dim3A_421 : vector<1024x1xi32> to vector<1024x128xi32>
    %select_n3A_423 = arith.select %eq3A_420, %broadcast_in_dim3A_422, %select_n3A_411 : vector<1024x128xi1>, vector<1024x128xi32>
    %swap3A = arith.constant 0 : index
    %swap3A_424 = arith.constant 0 : index
    %swap3A_425 = vector.load %arg9[%swap3A, %swap3A_424] : memref<1024x128xf32, #tpu.memory_space<vmem>>, vector<1024x128xf32>
    tpu.vector_store %arg9[%swap3A, %swap3A_424], %select_n3A_417 {strides = array<i32>} : memref<1024x128xf32, #tpu.memory_space<vmem>>, vector<1024x128xf32>,
    %swap3A_426 = arith.constant 0 : index
    %swap3A_427 = arith.constant 0 : index
    %swap3A_428 = vector.load %arg10[%swap3A_426, %swap3A_427] : memref<1024x128xi32, #tpu.memory_space<vmem>>, vector<1024x128xi32>
    tpu.vector_store %arg10[%swap3A_426, %swap3A_427], %select_n3A_423 {strides = array<i32>} : memref<1024x128xi32, #tpu.memory_space<vmem>>, vector<1024x128xi32>,
    %eq3A_429 = arith.constant 48 : i32
    %eq3A_430 = arith.cmpi eq, %arg0, %eq3A_429 : i32
    %convert_element_type3A_431 = arith.extui %eq3A_430 : i1 to i32
    %cond3A_432 = arith.constant 0 : i32
    %cond3A_433 = arith.cmpi ne, %convert_element_type3A_431, %cond3A_432 : i32
    scf.if %cond3A_433 {
      %concatenate3A_434 = tpu.concatenate %broadcast_in_dim3A_243, %broadcast_in_dim3A_267, %broadcast_in_dim3A_292, %broadcast_in_dim3A_317, %broadcast_in_dim3A_342 in 1 : vector<1024x1xf32>, vector<1024x1xf32>, vector<1024x1xf32>, vector<1024x1xf32>, vector<1024x1xf32> -> vector<1024x5xf32>
      %swap3A_435 = arith.constant 0 : index
      %swap3A_436 = arith.constant 0 : index
      %swap3A_437 = vector.load %arg6[%swap3A_435, %swap3A_436] : memref<1024x5xf32, #tpu.memory_space<vmem>>, vector<1024x5xf32>
      tpu.vector_store %arg6[%swap3A_435, %swap3A_436], %concatenate3A_434 {strides = array<i32>} : memref<1024x5xf32, #tpu.memory_space<vmem>>, vector<1024x5xf32>,
      %concatenate3A_438 = tpu.concatenate %broadcast_in_dim3A_259, %broadcast_in_dim3A_284, %broadcast_in_dim3A_309, %broadcast_in_dim3A_334, %broadcast_in_dim3A_359 in 1 : vector<1024x1xi32>, vector<1024x1xi32>, vector<1024x1xi32>, vector<1024x1xi32>, vector<1024x1xi32> -> vector<1024x5xi32>
      %swap3A_439 = arith.constant 0 : index
      %swap3A_440 = arith.constant 0 : index
      %swap3A_441 = vector.load %arg7[%swap3A_439, %swap3A_440] : memref<1024x5xi32, #tpu.memory_space<vmem>>, vector<1024x5xi32>
      tpu.vector_store %arg7[%swap3A_439, %swap3A_440], %concatenate3A_438 {strides = array<i32>} : memref<1024x5xi32, #tpu.memory_space<vmem>>, vector<1024x5xi32>,
    } else {
    }
    return
  }
  func.func @transform_0(%arg0: i32) -> (i32, i32) {
    %c0_i32 = arith.constant 0 : i32
    %c0_i32_0 = arith.constant 0 : i32
    %c0_i32_1 = arith.constant 0 : i32
    return %c0_i32, %c0_i32_0 : i32, i32
  }
  func.func @transform_1(%arg0: i32) -> (i32, i32) {
    %c0_i32 = arith.constant 0 : i32
    %c0_i32_0 = arith.constant 0 : i32
    %c0_i32_1 = arith.constant 0 : i32
    return %c0_i32, %c0_i32_0 : i32, i32
  }
  func.func @transform_2(%arg0: i32) -> (i32, i32) {
    %c0_i32 = arith.constant 0 : i32
    %c0_i32_0 = arith.constant 0 : i32
    return %c0_i32, %arg0 : i32, i32
  }
  func.func @transform_3(%arg0: i32) -> (i32, i32, i32) {
    %c0_i32 = arith.constant 0 : i32
    %c0_i32_0 = arith.constant 0 : i32
    %c0_i32_1 = arith.constant 0 : i32
    %c0_i32_2 = arith.constant 0 : i32
    return %c0_i32, %c0_i32_0, %c0_i32_1 : i32, i32, i32
  }
  func.func @transform_4(%arg0: i32) -> (i32, i32, i32) {
    %c0_i32 = arith.constant 0 : i32
    %c0_i32_0 = arith.constant 0 : i32
    %c0_i32_1 = arith.constant 0 : i32
    %c0_i32_2 = arith.constant 0 : i32
    return %c0_i32, %c0_i32_0, %c0_i32_1 : i32, i32, i32
  }
  func.func @transform_5(%arg0: i32) -> (i32, i32) {
    %c0_i32 = arith.constant 0 : i32
    %c0_i32_0 = arith.constant 0 : i32
    %c0_i32_1 = arith.constant 0 : i32
    return %c0_i32, %c0_i32_0 : i32, i32
  }
  func.func @transform_6(%arg0: i32) -> (i32, i32) {
    %c0_i32 = arith.constant 0 : i32
    %c0_i32_0 = arith.constant 0 : i32
    %c0_i32_1 = arith.constant 0 : i32
    return %c0_i32, %c0_i32_0 : i32, i32
  }
}

</mosaic_0001>

<sc_bundles>
// kernel: gather_offload_async_start
scs
__scs_entry_jumppad:
0x0: {  	(pc) =	sbr.rel $0x88, $3  }
0x1: {  	(tag) =	ssettag $0x0;
	lr =	simm.s32 $0x1  }
0x2: {  	[smem:$0x3F9C] =	sst lr;
	_ =	strace $0xD0000000  }
0x3: {  	_ = 	snop  }
0x4: {  	_ = 	snop  }
0x5: {  	_ = 	snop  }
0x6: {  	_ = 	snop  }
0x7: {  	_ = 	snop  }
__scs_overlays_trampoline_lowered:
0x8: {  	[smem:$0x3FAB] =	sst s0  }
0x9: {  	[smem:$0x3FAC] =	sst s1  }
0xa: {  	[smem:$0x3FAD] =	sst s2  }
0xb: {  	[smem:$0x3FAE] =	sst s3  }
0xc: {  	[smem:$0x3FAF] =	sst s4  }
0xd: {  	[smem:$0x3FB0] =	sst s5  }
0xe: {  	[smem:$0x3FB1] =	sst s6  }
0xf: {  	[smem:$0x3FB2] =	sst s7  }
0x10: {  	[smem:$0x3FB3] =	sst s8  }
0x11: {  	[smem:$0x3FB4] =	sst s9;
	s0 =	simm.s32 @!p0 $0x0  }
0x12: {  	s1 =	sld [smem:$0x3F9A];
	s0 =	simm.s32 @p0 $0x1  }
0x13: {  	[smem:$0x3FB5] =	sst s0;
	s0 =	simm.s32 @!p1 $0x0  }
0x14: {  	s2 =	sld [smem:$0x3F99];
	s0 =	simm.s32 @p1 $0x1  }
0x15: {  	[smem:$0x3FB6] =	sst s0;
	s0 =	simm.s32 @!p2 $0x0  }
0x16: {  	s3 =	sld [smem:$0x3FDB];
	s0 =	simm.s32 @p2 $0x1  }
0x17: {  	s4 =	simm.s32 $0x1BF5;
	[smem:$0x3FB8] =	sst s0  }
0x18: {  	s0 =	sld [smem:$0x3F9B];
	_ =	swait.ge [sflag:s4], $0x0  }
0x19: {  	s7 =	sld [smem:$0x3F9C]  }
0x1a: {  	s8 =	sadd.s32 $0xFFFFE003, lr  }
0x1b: {  	s9 =	sadd.s32 $0xFFFFFEF7, lr;
	s5 =	simm.s32 $0xFFFFFFFF;
	p2 =	slt.u32 s8, $0xFFFFF086  }
0x1c: {  	p1 =	slt.u32 s9, $0xF7A;
	s5 =	simm.s32 @!p2 $0x0  }
0x1d: {  	s5 =	simm.s32 @p1 $0x1;
	p0 =	seq.s32 s7, s2  }
0x1e: {  	s7 =	smul.u32 @!p0 $0xF7A, s2;
	p2 =	seq.s32 @!p0 s5, $0x0  }
0x1f: {  	s9 =	smul.u32 $0xF7A, s1;
	s8 =	simm.s32 @!p0 $0x1BF5;
	p2 =	por !p2, p0  }
0x20: {  	[sflag:s8] =	ssyncset.s32 @!p0 $0xFFFFF086;
	s6 =	sadd.s32 @!p0 s3, s7;
	s7 =	simm.s32 @!p0 $0x108  }
0x21: {  	s3 =	sadd.s32 s3, s9;
	s6 =	sadd.s32 @!p0 $0x88, s6;
	s7 =	simm.s32 @p2 $0x1082  }
0x22: {  	[simem:s7], [sflag:s8] =	dma.local @!p0 [hbm:s6], $0xF7A  }
0x23: {  	s9 =	sor.u32 $0xD0000000, s2;
	s6 =	simm.s32 $0x108;
	_ =	swait.ge @!p0 [sflag:s8], $0x0  }
0x24: {  	s3 =	sadd.s32 $0x88, s3;
	s6 =	simm.s32 @!p1 $0x1082;
	[sflag:s4] =	ssyncset.s32 $0xFFFFF086  }
0x25: {  	[simem:s6], [sflag:s4] =	dma.local [hbm:s3], $0xF7A  }
0x26: {  	[smem:$0x3F9C] =	sst s1;
	(tag) =	ssettag s2;
	_ =	strace s9  }
0x27: {  	s1 =	sld [smem:$0x3FAC]  }
0x28: {  	s2 =	sld [smem:$0x3FAD]  }
0x29: {  	s4 =	sld [smem:$0x3FAF]  }
0x2a: {  	p0 =	seq.s32 s5, $0x0;
	s5 =	sld [smem:$0x3FB0]  }
0x2b: {  	s6 =	sld [smem:$0x3FB1]  }
0x2c: {  	s7 =	sld [smem:$0x3FB2]  }
0x2d: {  	s3 =	simm.s32 $0x108;
	s8 =	sld [smem:$0x3FB3]  }
0x2e: {  	s3 =	simm.s32 @!p0 $0x1082;
	s9 =	sld [smem:$0x3FB4]  }
0x2f: {  	lr =	sadd.s32 s0, s3;
	s0 =	sld [smem:$0x3FAB]  }
0x30: {  	s3 =	sld [smem:$0x3FAE]  }
0x31: {  	[smem:$0x3FB7] =	sst s10  }
0x32: {  	s10 =	sld [smem:$0x3FB5];
	_ =	sdelay $0x3  }
0x33: {  	p0 =	seq.s32 s10, $0x1;
	s10 =	sld [smem:$0x3FB7];
	_ =	sdelay $0x3  }
0x34: {  	[smem:$0x3FB7] =	sst s10  }
0x35: {  	s10 =	sld [smem:$0x3FB6];
	_ =	sdelay $0x3  }
0x36: {  	p1 =	seq.s32 s10, $0x1;
	s10 =	sld [smem:$0x3FB7];
	_ =	sdelay $0x3  }
0x37: {  	[smem:$0x3FB7] =	sst s10  }
0x38: {  	s10 =	sld [smem:$0x3FB8]  }
0x39: {  	_ = 	snop;
	(pc) =	sbr.ind lr, $3  }
0x3a: {  	_ = 	snop  }
0x3b: {  	_ = 	snop  }
0x3c: {  	p2 =	seq.s32 s10, $0x1;
	s10 =	sld [smem:$0x3FB7]  }
0x3d: {  	_ =	shalt  }
0x3e: {  	_ =	shalt  }
0x3f: {  	_ =	shalt  }
0x40: {  	_ =	shalt  }
0x41: {  	_ =	shalt  }
0x42: {  	_ =	shalt  }
0x43: {  	_ =	shalt  }
0x44: {  	_ =	shalt  }
0x45: {  	_ =	shalt  }
0x46: {  	_ =	shalt  }
0x47: {  	_ =	shalt  }
0x48: {  	_ =	shalt  }
0x49: {  	_ =	shalt  }
0x4a: {  	_ =	shalt  }
0x4b: {  	_ =	shalt  }
0x4c: {  	_ =	shalt  }
0x4d: {  	_ =	shalt  }
0x4e: {  	_ =	shalt  }
0x4f: {  	_ =	shalt  }
0x50: {  	_ =	shalt  }
0x51: {  	_ =	shalt  }
0x52: {  	_ =	shalt  }
0x53: {  	_ =	shalt  }
0x54: {  	_ =	shalt  }
0x55: {  	_ =	shalt  }
0x56: {  	_ =	shalt  }
0x57: {  	_ =	shalt  }
0x58: {  	_ =	shalt  }
0x59: {  	_ =	shalt  }
0x5a: {  	_ =	shalt  }
0x5b: {  	_ =	shalt  }
0x5c: {  	_ =	shalt  }
0x5d: {  	_ =	shalt  }
0x5e: {  	_ =	shalt  }
0x5f: {  	_ =	shalt  }
0x60: {  	_ =	shalt  }
0x61: {  	_ =	shalt  }
0x62: {  	_ =	shalt  }
0x63: {  	_ =	shalt  }
0x64: {  	_ =	shalt  }
0x65: {  	_ =	shalt  }
0x66: {  	_ =	shalt  }
0x67: {  	_ =	shalt  }
0x68: {  	_ =	shalt  }
0x69: {  	_ =	shalt  }
0x6a: {  	_ =	shalt  }
0x6b: {  	_ =	shalt  }
0x6c: {  	_ =	shalt  }
0x6d: {  	_ =	shalt  }
0x6e: {  	_ =	shalt  }
0x6f: {  	_ =	shalt  }
0x70: {  	_ =	shalt  }
0x71: {  	_ =	shalt  }
0x72: {  	_ =	shalt  }
0x73: {  	_ =	shalt  }
0x74: {  	_ =	shalt  }
0x75: {  	_ =	shalt  }
0x76: {  	_ =	shalt  }
0x77: {  	_ =	shalt  }
0x78: {  	_ =	shalt  }
0x79: {  	_ =	shalt  }
0x7a: {  	_ =	shalt  }
0x7b: {  	_ =	shalt  }
0x7c: {  	_ =	shalt  }
0x7d: {  	_ =	shalt  }
0x7e: {  	_ =	shalt  }
0x7f: {  	_ =	shalt  }
0x80: {  	_ =	shalt  }
0x81: {  	_ =	shalt  }
0x82: {  	_ =	shalt  }
0x83: {  	_ =	shalt  }
0x84: {  	_ =	shalt  }
0x85: {  	_ =	shalt  }
0x86: {  	_ =	shalt  }
0x87: {  	_ =	shalt  }
.Lfunc_end0:
.L_simem_size_0:
called_computation_lowered:
.L_overlay_start_0:
0x88: {  	s2 =	sld [smem:$0x3FD9]  }
0x89: {  	s3 =	sld [smem:$0x3FFE];
	_ =	sdelay $0x1  }
0x8a: {  	s1 =	srdreg.scid  }
0x8b: {  	s0 =	sand.u32 $0x1, s1  }
0x8c: {  	s16 =	sshll.u32 s0, $0xA;
	s2 =	sadd.s32 s3, s2  }
0x8d: {  	s2 =	sadd.s32 s2, s16  }
0x8e: {  	[smem:$0x3FC3] =	sst s2  }
0x8f: {  	_ = 	snop  }
0x90: {  	(tm) =	ssettm $0x1  }
0x91: {  	s17 =	sld [smem:$0x3FFB];
	_ =	sdelay $0x3  }
0x92: {  	_ =	strace s17  }
0x93: {  	s2 =	sld [smem:$0x3FFC];
	_ =	sdelay $0x3  }
0x94: {  	_ =	strace s2  }
0x95: {  	s2 =	sld [smem:$0x3FFD];
	_ =	sdelay $0x3  }
0x96: {  	_ =	strace s2  }
0x97: {  	_ =	strace $0x8FFFFFFF  }
0x98: {  	s18 =	sld [smem:$0x3FDB];
	_ =	sdelay $0x1  }
0x99: {  	s19 =	simm.s32 $_scs_section_size  }
0x9a: {  	s4 =	simm.s32 $_size__tile_overlayer_lowered;
	s5 =	simm.s32 $_tile_overlayer_lowered  }
0x9b: {  	s22 =	simm.s32 $0x1BFF;
	s21 =	sshll.u32 s5, $0x1;
	s2 =	sadd.s32 s19, s18  }
0x9c: {  	s6 =	simm.s32 $0x0;
	s20 =	sshll.u32 s4, $0x1;
	s4 =	sadd.s32 s21, s2  }
0x9d: {  	[timem:s6], [sflag:s22] =	dma.local [hbm:s4], s20  }
0x9e: {  	_ =	swait.ge [sflag:s22], s20  }
0x9f: {  	s3 =	ssub.s32 $0x0, s20;
	[sflag:s22] =	ssyncset.done $0x0  }
0xa0: {  	[sflag:s22] =	ssyncadd.s32 s3;
	_ =	sdelay $0x1  }
0xa1: {  	s23 =	simm.s32 $0x1B8B  }
0xa2: {  	_ =	swait.ge [sflag:s23], $0x1  }
0xa3: {  	[sflag:s23] =	ssyncset.done $0x0  }
0xa4: {  	s25 =	simm.s32 $0x1B8E;
	s24 =	sld [smem:$0x3FFE];
	[sflag:s23] =	ssyncadd.s32 $0xFFFFFFFF  }
0xa5: {  	s26 =	simm.s32 $execute0_lowered;
	[smem:$0x3FD2] =	sst s25  }
0xa6: {  	s4 =	sshll.u32 s26, $0x1;
	_ =	strace $0x80000046;
	[dreg:$0x1] =	wrdreg $0xFFFFFFFF  }
0xa7: {  	s28 =	simm.s32 $_size_execute0_lowered;
	s2 =	sadd.s32 s2, s4;
	[dreg:$0x0] =	wrdreg $0x0  }
0xa8: {  	s4 =	sshll.u32 s28, $0x1;
	[dreg:$0x2] =	wrdreg s2  }
0xa9: {  	[dreg:$0x3] =	wrdreg s4  }
0xaa: {  	[dreg:$0x4] =	wrdreg $0xC0  }
0xab: {  	_ =	task [dreg:s6], $0x5FFFF  }
0xac: {  	[dreg:$0x1] =	wrdreg $0xFFFFFFFF  }
0xad: {  	[dreg:$0x0] =	wrdreg $0x60  }
0xae: {  	[dreg:$0x2] =	wrdreg s24  }
0xaf: {  	[dreg:$0x3] =	wrdreg $0x9  }
0xb0: {  	_ =	task.clear_ibuf [dreg:s6], $0x4FFFF;
	_ =	strace $0x90000046  }
0xb1: {  	s29 =	simm.s32 $0x9;
	_ =	strace $0x80000048  }
0xb2: {  	_ =	swait.ge [sflag:s29], $0x1  }
0xb3: {  	[sflag:s29] =	ssyncadd.s32 $0xFFFFFFFF  }
0xb4: {  	_ =	strace $0x90000048  }
0xb5: {  	_ =	sfence  }
0xb6: {  	s30 =	sld [smem:$0x0];
	_ =	sdelay $0x2  }
0xb7: {  	s31 =	sshll.u32 s1, $0xD;
	s1 =	sshrl.u32 s1, $0x2  }
0xb8: {  	s3 =	sand.u32 $0x4000, s31;
	s1 =	sadd.s32 s1, s30  }
0xb9: {  	s0 =	sor.u32 s3, s0;
	s1 =	sshll.u32 s1, $0x11  }
0xba: {  	s0 =	sor.u32 s1, s0  }
0xbb: {  	s0 =	sadd.s32 $0x8F2B, s0  }
0xbc: {  	[sflag:s0] =	ssyncadd.remote.s32 $0x1  }
0xbd: {  	_ =	sfence.sel $0xFFFF  }
0xbe: {  	[dreg:$0x0] =	wrdreg $0xFFFFFFFF;
	(pc) =	sbr.abs _section_cstart, $3  }
0xbf: {  	[dreg:$0x1] =	wrdreg $0xFFFFFFFF  }
0xc0: {  	_ =	task.clear_ibuf [dreg:s6], $0x2FFFF;
	_ =	strace $0x9FFFFFFF  }
0xc1: {  	(tm) =	ssettm $0x7FFFFFFF  }
tec
execute0_lowered:
.L_overlay_start_1:
0x0: {  	(tag) =	ssettag $0x1  }
0x1: {  	s7 =	rddreg [dreg:$0x0]  }
0x2: {  	s1 =	srdreg.scid;
	s0 =	rddreg [dreg:$0x1]  }
0x3: {  	_ =	strace $0x80000047;
	s3 =	simm.s32 $0x1;
	s5 =	simm.s32 $0x2  }
0x4: {  	s9 =	simm.s32 $0x3;
	s11 =	simm.s32 $0x0;
	s2 =	sshll.u32 s1, $0x4  }
.Ltmp0:
0x5: {  	s1 =	stileid.u32;
	s4 =	sand.u32 $0x10, s2;
	(pc) =	sbr.rel .LBB2_1-.Ltmp0, $4  }
0x6: {  	p0 =	por $0x0, $0x0;
	[sflag:s3] =	ssyncpa.u1 $0x0;
	s4 =	sor.u32 s1, s4  }
0x7: {  	s6 =	sadd.s32 $0xF42E00, s7;
	[sflag:s5] =	ssyncpa.u1 $0x0;
	s4 =	smul.u32 $0x640, s4  }
0x8: {  	s2 =	sadd.s32 $0xA00, s7;
	s7 =	sadd.s32 $0xF44800, s7;
	[sflag:s9] =	ssyncpa.u1 $0x0  }
0x9: {  	vm0 =	vmmov $0xff;
	vm1 =	vcmask $0x3F20;
	s9 =	simm.s32 $0x0;
	s8 =	sadd.s32 $0x640, s4;
	s10 =	smov.u32 s4  }
.LBB2_6:
0xa: {  	[hbm:s15] =	stream.linear.scatter [tilespmem:s12], [sflag:$0x3], $0x400, $0x38;
	[tilespmem:$0x14280] =	vst v63  }
.LBB2_7:
0xb: {  	p1 =	slt.u32 s9, $0x2;
	s11 =	sadd.s32 $0x140, s10  }
0xc: {  	s13 =	smov.u32 s4;
	s9 =	sadd.s32 $0x1, s9;
	p2 =	slt.s32 s11, s8  }
0xd: {  	s13 =	smov.u32 @p2 s11;
	p2 =	sne.s32 s9, $0x7  }
.Ltmp1:
0xe: {  	_ = 	snop;
	(pc) =	sbr.rel @!p2 .LBB2_8-.Ltmp1, $4  }
0xf: {  	s12 =	simm.s32 @!p1 $0x3  }
0x10: {  	_ =	swait.ge @!p1 [sflag:s12], $0xA000  }
0x11: {  	p0 =	por !p0, !p0;
	[sflag:s12] =	ssyncset.done @!p1 $0x0  }
0x12: {  	s11 =	smov.u32 s10;
	s10 =	smov.u32 s13;
	[sflag:s12] =	ssyncadd.s32 @!p1 $0xFFFF6000  }
.LBB2_1:
0x13: {  	p1 =	sgt.u32 s9, $0x4  }
0x14: {  	s12 =	sxor.u32 @!p1 $0xFFFFFFFF, s9  }
0x15: {  	s12 =	sand.u32 @!p1 $0x1, s12  }
0x16: {  	s12 =	smul.u32 @!p1 $0x500, s12  }
0x17: {  	s31 =	sadd.s32 $0xFFFFFFFF, s9;
	s13 =	sshrl.u32 @!p1 s10, $0x3  }
0x18: {  	s14 =	sand.u32 @!p1 $0x7, s10;
	s13 =	sadd.s32 @!p1 s6, s13;
	s12 =	sshrl.u32 @!p1 s12, $0x2  }
0x19: {  	[tilespmem:s12], [sflag:$0x2] =	stream.linear.gather @!p1 [hbm4b:s13+s14], $0x140, $0x38;
	[tilespmem:$0x14280] =	vst v63  }
0x1a: {  	p1 =	sgt.u32 s31, $0x4  }
.Ltmp2:
0x1b: {  	_ = 	snop;
	(pc) =	sbr.rel @p1 .LBB2_7-.Ltmp2, $1  }
0x1c: {  	_ =	sdelay $0x3  }
0x1d: {  	s12 =	simm.s32 $0x1  }
0x1e: {  	s12 =	simm.s32 @!p0 $0x0  }
0x1f: {  	s13 =	smul.u32 $0x500, s12  }
0x20: {  	_ =	swait.ge [sflag:s5], $0x140  }
0x21: {  	[sflag:s5] =	ssyncset.done $0x0;
	s14 =	sshrl.u32 s13, $0x2  }
0x22: {  	[sflag:s5] =	ssyncadd.s32 $0xFFFFFEC0;
	s13 =	sadd.s32 $0x0, s14  }
0x23: {  	v0 =	vld.msk [tilespmem:s13+$0x0 ss:$0x1], $0xffff;
	_ =	sdelay $0x4  }
0x24: {  	vm2 =	vgt.s32 v0, $0x0  }
0x25: {  	v0 =	vnsel vm2, $0x0, v0  }
0x26: {  	v0 =	vmin.u32 v0, $0xF423F  }
0x27: {  	v0 =	vshll.u32 v0, $0x4  }
0x28: {  	s12 =	smul.u32 $0x28000, s12;
	_ =	sdelay $0x1  }
0x29: {  	s12 =	sshrl.u32 s12, $0x2  }
0x2a: {  	s12 =	sor.u32 $0x280, s12  }
0x2b: {  	[tilespmem:s12], [sflag:$0x1] =	stream.indirect_vreg.gather [hbm:s2], $0x80, v0, vm0, $0x38;
	[tilespmem:$0x14280] =	vst v63  }
0x2c: {  	s15 =	sadd.s32 $0x10, s14;
	s13 =	sadd.s32 $0x400, s12  }
0x2d: {  	[tilespmem:s13], [sflag:$0x1] =	stream.indirect_vreg.gather [hbm:s2], $0x80, v0, vm1, $0x38;
	[tilespmem:$0x14280] =	vst v63  }
0x2e: {  	s16 =	simm.s32 $0x80;
	v0 =	vld.msk [tilespmem:s15+$0x0 ss:$0x1], $0xffff;
	s15 =	smov.u32 s12  }
.LBB2_3:
0x2f: {  	p1 =	sne.s32 s16, $0x4C0;
	_ =	sdelay $0x4  }
0x30: {  	vm2 =	vgt.s32 v0, $0x0  }
0x31: {  	v0 =	vnsel vm2, $0x0, v0  }
0x32: {  	v0 =	vmin.u32 v0, $0xF423F  }
0x33: {  	v0 =	vshll.u32 v0, $0x4;
	_ =	sdelay $0x3  }
.Ltmp3:
0x34: {  	s17 =	sshra.s32 s16, $0x2;
	s15 =	sadd.s32 $0x800, s15;
	(pc) =	sbr.rel @p1 .LBB2_3-.Ltmp3, $4  }
0x35: {  	[tilespmem:s15], [sflag:$0x1] =	stream.indirect_vreg.gather [hbm:s2], $0x80, v0, vm0, $0x38;
	[tilespmem:$0x14280] =	vst v63  }
0x36: {  	s17 =	sadd.s32 s17, s14;
	s18 =	sadd.s32 $0x400, s15  }
0x37: {  	[tilespmem:s18], [sflag:$0x1] =	stream.indirect_vreg.gather [hbm:s2], $0x80, v0, vm1, $0x38;
	[tilespmem:$0x14280] =	vst v63  }
0x38: {  	s16 =	sadd.s32 $0x40, s16;
	v0 =	vld.msk [tilespmem:s17+$0x0 ss:$0x1], $0xffff  }
0x39: {  	_ =	sdelay $0x3  }
0x3a: {  	vm2 =	vgt.s32 v0, $0x0  }
0x3b: {  	v0 =	vnsel vm2, $0x0, v0  }
0x3c: {  	v0 =	vmin.u32 v0, $0xF423F  }
0x3d: {  	v0 =	vshll.u32 v0, $0x4;
	_ =	sdelay $0x3  }
0x3e: {  	s14 =	sadd.s32 $0x800, s15  }
0x3f: {  	[tilespmem:s14], [sflag:$0x1] =	stream.indirect_vreg.gather [hbm:s2], $0x80, v0, vm0, $0x38;
	[tilespmem:$0x14280] =	vst v63  }
0x40: {  	s14 =	sadd.s32 $0x400, s14  }
0x41: {  	[tilespmem:s14], [sflag:$0x1] =	stream.indirect_vreg.gather [hbm:s2], $0x80, v0, vm1, $0x38;
	[tilespmem:$0x14280] =	vst v63  }
0x42: {  	s11 =	sshll.u32 s11, $0x4;
	_ =	swait.ge [sflag:s3], $0xA000  }
0x43: {  	s11 =	sadd.s32 s11, s7;
	[sflag:s3] =	ssyncset.done $0x0  }
0x44: {  	s15 =	sadd.s32 $0x0, s11;
	s14 =	simm.s32 $0x80;
	[sflag:s3] =	ssyncadd.s32 $0xFFFF6000  }
.LBB2_5:
0x45: {  	[hbm:s15] =	stream.linear.scatter [tilespmem:s12], [sflag:$0x3], $0x400, $0x38;
	[tilespmem:$0x14280] =	vst v63  }
0x46: {  	s15 =	smov.u32 s14;
	s12 =	smov.u32 s13;
	p1 =	sne.s32 s14, $0x1380  }
.Ltmp4:
0x47: {  	s14 =	sadd.s32 $0x80, s14;
	(pc) =	sbr.rel @p1 .LBB2_5-.Ltmp4, $2  }
0x48: {  	_ =	sdelay $0x2  }
0x49: {  	s13 =	sadd.s32 $0x400, s13;
	s15 =	sadd.s32 s15, s11  }
.Ltmp5:
0x4a: {  	_ = 	snop;
	(pc) =	sbr.rel .LBB2_6-.Ltmp5, $1  }
0x4b: {  	_ =	sdelay $0x3  }
.LBB2_8:
0x4c: {  	_ =	sfence.sel $0x180000  }
0x4d: {  	s2 =	simm.s32 $0x2;
	[bflag:$0x0] =	sbarrier.arrive $0xFFFF  }
0x4e: {  	s30 =	simm.s32 $0x3;
	[sflag:s2] =	ssyncpa.u1 $0x1  }
0x4f: {  	s31 =	simm.s32 $0x1;
	[sflag:s30] =	ssyncpa.u1 $0x1  }
0x50: {  	[sflag:s31] =	ssyncpa.u1 $0x1  }
0x51: {  	p0 =	sne.s32 s1, $0x0;
	_ =	strace $0x90000047  }
0x52: {  	s0 =	sadd.s32 @!p0 $0x100000, s0;
	[bflag:$0x2] =	sbarrier.arrive $0xFFFF  }
0x53: {  	[sflag:s0] =	ssyncadd.tile.s32 @!p0 $0x1;
	_ =	shalt  }
.Lfunc_end2:
_tile_overlayer_lowered:
.L_overlay_start_2:
0x54: {  	(tag) =	ssettag $0x2  }
0x55: {  	s0 =	rddreg [dreg:$0x0];
	s2 =	stileid.u32  }
0x56: {  	s1 =	rddreg [dreg:$0x1];
	p0 =	sne.s32 s2, $0x0  }
0x57: {  	s3 =	rddreg [dreg:$0x2];
	[bflag:$0x3] =	sbarrier.arrive $0xFFFF;
	s2 =	simm.s32 @!p0 $0x1C01  }
0x58: {  	[timem:s3], [sflag:s2] =	dma.local @!p0 [hbm:s0], s1  }
0x59: {  	s0 =	simm.s32 @!p0 $0x1  }
0x5a: {  	_ =	swait.ge @!p0 [sflag:s0], s1  }
0x5b: {  	s1 =	ssub.s32 @!p0 $0x0, s1;
	[sflag:s0] =	ssyncset.done @!p0 $0x0  }
0x5c: {  	[sflag:s0] =	ssyncadd.s32 @!p0 s1  }
0x5d: {  	[bflag:$0x3] =	sbarrier.arrive $0xFFFF  }
0x5e: {  	_ =	shalt  }

</sc_bundles>
